<compile_context>
chip_gen: v7x
topology: tpu7x:2x2x1
jax: 0.10.2.dev20260603
libtpu: 0.0.44.dev20260713+nightly
codegen_flags: <defaults>
</compile_context>

<pallas_src>
import jax
import jax.numpy as jnp
from jax import lax
from jax.experimental import pallas as pl
from jax.experimental.pallas import tpu as pltpu
from jax.experimental.pallas import tpu_sc as plsc

_EPS = 1e-05

_NC = 2
_NS = 16
_NQ = 4
_K = 80


def _front_body(x_ref, vec_ref, lns, lnb, pw1, pb1, pw2, pb2,
                qw1, qb1, qw2, qb2, p_out, u4_out):
    x = x_ref[...]
    mean = jnp.mean(x, axis=-1, keepdims=True)
    cx = x - mean
    var = jnp.mean(cx * cx, axis=-1, keepdims=True)
    xn = cx * lax.rsqrt(var + _EPS) * lns[...] + lnb[...]

    def _mlp(w1, b1, w2, b2):
        h = jnp.dot(xn, w1[...], preferred_element_type=jnp.float32) + b1[...]
        h = h * jax.nn.sigmoid(h)
        return jnp.dot(h, w2[...], preferred_element_type=jnp.float32) + b2[...]

    p = _mlp(pw1, pb1, pw2, pb2)
    q = _mlp(qw1, qb1, qw2, qb2)
    u = q[:, None, :] * vec_ref[...]
    qw = u.shape[-1] // _NQ
    hq = [
        jnp.concatenate([u[:, 0, t * qw:(t + 1) * qw],
                         u[:, 1, t * qw:(t + 1) * qw],
                         u[:, 2, t * qw:(t + 1) * qw]], axis=-1)[:, None, :]
        for t in range(_NQ)
    ]
    bn = x.shape[0]
    u4 = jnp.concatenate(hq, axis=1).reshape(_NQ * bn, 3 * qw)
    p_out[...] = p
    u4_out[...] = u4


def _final_body(acc_ref, p_ref, out_ref):
    parts = [acc_ref[t] for t in range(_NQ)]
    out_ref[...] = jnp.concatenate(parts, axis=-1) * p_ref[...][:, None, :]


def _make_edge_body(n_nodes, n_edges, row_w):
    edges_per_tile = n_edges // _NS
    chunks = edges_per_tile // _K
    rows_per_tile = n_nodes // _NS
    zfull = rows_per_tile // _K
    zrem = rows_per_tile - zfull * _K
    nvr = row_w // 16

    def body(u4, send, recv, amat, acc_out, idx_v, recv_v, a_v, rows_v,
             zero_v, sem, acc_sh):
        core = lax.axis_index("c")
        sid = lax.axis_index("s")
        zero16 = jnp.zeros((16,), jnp.float32)

        def zrow(r, _):
            for t in range(nvr):
                zero_v[r, pl.ds(t * 16, 16)] = zero16
            return 0
        lax.fori_loop(0, _K, zrow, 0)

        row0 = sid * rows_per_tile
        e_base = sid * edges_per_tile

        for p in range(_NQ // _NC):
            for z in range(zfull):
                pltpu.sync_copy(zero_v, acc_sh.at[pl.ds(row0 + z * _K, _K)])
            if zrem:
                pltpu.sync_copy(zero_v.at[pl.ds(0, zrem)],
                                acc_sh.at[pl.ds(row0 + zfull * _K, zrem)])
            plsc.subcore_barrier()

            def chunk(ci, _):
                eoff = e_base + ci * _K
                pltpu.sync_copy(send.at[pl.ds(eoff, _K)], idx_v)

                def fix(t, _):
                    s = idx_v[pl.ds(t * 16, 16)]
                    idx_v[pl.ds(t * 16, 16)] = s * _NQ + (core + _NC * p)
                    return 0
                lax.fori_loop(0, _K // 16, fix, 0)

                pltpu.sync_copy(recv.at[pl.ds(eoff, _K)], recv_v)
                pltpu.sync_copy(amat.at[pl.ds(eoff, _K)], a_v)
                pltpu.async_copy(u4.at[idx_v], rows_v, sem).wait()

                def edge(e, _):
                    av = a_v[e, pl.ds(0, 16)]
                    a = [av[k] for k in range(9)]
                    u = [rows_v[e, pl.ds(t * 16, 16)] for t in range(nvr)]
                    for i in range(3):
                        for t in range(2):
                            o = (a[3 * i] * u[t] + a[3 * i + 1] * u[2 + t]
                                 + a[3 * i + 2] * u[4 + t])
                            rows_v[e, pl.ds((i * 2 + t) * 16, 16)] = o
                    return 0
                lax.fori_loop(0, _K, edge, 0)

                pltpu.sync_copy(rows_v, acc_sh.at[recv_v], add=True)
                return 0
            lax.fori_loop(0, chunks, chunk, 0)
            plsc.subcore_barrier()

            pltpu.sync_copy(acc_sh.at[pl.ds(row0, rows_per_tile)],
                            acc_out.at[core + _NC * p,
                                       pl.ds(row0, rows_per_tile)])

    return body


def kernel(x, vec, senders, receivers, interaction_matrices,
           ln_scale, ln_bias, p_W1, p_b1, p_W2, p_b2,
           q_W1, q_b1, q_W2, q_b2):
    n, c = x.shape
    e = senders.shape[0]
    qw = c // _NQ
    row_w = 3 * qw
    bn = 1000
    grid = n // bn

    wspec = lambda shape: pl.BlockSpec(shape, lambda i: (0,) * len(shape))
    p_arr, u4 = pl.pallas_call(
        _front_body,
        grid=(grid,),
        in_specs=[
            pl.BlockSpec((bn, c), lambda i: (i, 0)),
            pl.BlockSpec((bn, 3, c), lambda i: (i, 0, 0)),
            wspec((1, c)), wspec((1, c)),
            wspec((c, 2 * c)), wspec((1, 2 * c)), wspec((2 * c, c)), wspec((1, c)),
            wspec((c, 2 * c)), wspec((1, 2 * c)), wspec((2 * c, c)), wspec((1, c)),
        ],
        out_specs=[
            pl.BlockSpec((bn, c), lambda i: (i, 0)),
            pl.BlockSpec((_NQ * bn, row_w), lambda i: (i, 0)),
        ],
        out_shape=[
            jax.ShapeDtypeStruct((n, c), jnp.float32),
            jax.ShapeDtypeStruct((_NQ * n, row_w), jnp.float32),
        ],
    )(x, vec, ln_scale.reshape(1, c), ln_bias.reshape(1, c),
      p_W1, p_b1.reshape(1, 2 * c), p_W2, p_b2.reshape(1, c),
      q_W1, q_b1.reshape(1, 2 * c), q_W2, q_b2.reshape(1, c))

    amat = interaction_matrices.reshape(e, 9)
    amat = jnp.concatenate([amat, jnp.zeros((e, 7), jnp.float32)], axis=1)
    edge_fn = pl.kernel(
        _make_edge_body(n, e, row_w),
        out_type=jax.ShapeDtypeStruct((_NQ, n, row_w), jnp.float32),
        mesh=plsc.VectorSubcoreMesh(core_axis_name="c", subcore_axis_name="s",
                                    num_cores=_NC, num_subcores=_NS),
        compiler_params=pltpu.CompilerParams(use_tc_tiling_on_sc=False),
        scratch_types=[
            pltpu.VMEM((_K,), jnp.int32),
            pltpu.VMEM((_K,), jnp.int32),
            pltpu.VMEM((_K, 16), jnp.float32),
            pltpu.VMEM((_K, row_w), jnp.float32),
            pltpu.VMEM((_K, row_w), jnp.float32),
            pltpu.SemaphoreType.DMA,
            pltpu.VMEM_SHARED((n, row_w), jnp.float32),
        ],
    )
    acc = edge_fn(u4, senders, receivers, amat)
    acc4 = acc.reshape(_NQ, n, 3, qw)

    dvec = pl.pallas_call(
        _final_body,
        grid=(grid,),
        in_specs=[
            pl.BlockSpec((_NQ, bn, 3, qw), lambda i: (0, i, 0, 0)),
            pl.BlockSpec((bn, c), lambda i: (i, 0)),
        ],
        out_specs=pl.BlockSpec((bn, 3, c), lambda i: (i, 0, 0)),
        out_shape=jax.ShapeDtypeStruct((n, 3, c), jnp.float32),
    )(acc4, p_arr)
    return dvec

# --- scband reference (transcript-rebuilt; emitter-appended) ---
"""Pipeline reference for scband-ind-dipole-62440234549687 (READ-ONLY COPY).

The authoritative reference and input builder live on the scoring server;
editing this copy changes nothing except your own understanding.
"""

import jax, jax.numpy as jnp
import numpy as np

EPS = 1e-05


def layer_norm(x, scale, bias):
    mean = jnp.mean(x, axis=-1, keepdims=True)
    var = jnp.var(x, axis=-1, keepdims=True)
    return (x - mean) / jnp.sqrt(var + EPS) * scale + bias


def mlp(x, W1, b1, W2, b2):
    h = jax.nn.silu(x @ W1 + b1)
    return h @ W2 + b2


def setup_inputs(seed: int = 0):
    key = jax.random.key(seed)
    ks = jax.random.split(key, 16)
    N, E, C = 10000, 160000, 128
    x = jax.random.normal(ks[0], (N, C), jnp.float32)
    vec = jax.random.normal(ks[1], (N, 3, C), jnp.float32)
    senders = jax.random.randint(ks[2], (E,), 0, N, jnp.int32)
    receivers = jax.random.randint(ks[3], (E,), 0, N, jnp.int32)
    interaction_matrices = jax.random.normal(ks[4], (E, 3, 3), jnp.float32)
    ln_scale = jnp.ones((C,), jnp.float32)
    ln_bias = jnp.zeros((C,), jnp.float32)
    p_W1 = jax.random.normal(ks[5], (C, 2 * C), jnp.float32) * 0.05
    p_b1 = jnp.zeros((2 * C,), jnp.float32)
    p_W2 = jax.random.normal(ks[6], (2 * C, C), jnp.float32) * 0.05
    p_b2 = jnp.zeros((C,), jnp.float32)
    q_W1 = jax.random.normal(ks[7], (C, 2 * C), jnp.float32) * 0.05
    q_b1 = jnp.zeros((2 * C,), jnp.float32)
    q_W2 = jax.random.normal(ks[8], (2 * C, C), jnp.float32) * 0.05
    q_b2 = jnp.zeros((C,), jnp.float32)
    return {
        'x': x, 'vec': vec, 'senders': senders, 'receivers': receivers,
        'interaction_matrices': interaction_matrices,
        'ln_scale': ln_scale, 'ln_bias': ln_bias,
        'p_W1': p_W1, 'p_b1': p_b1, 'p_W2': p_W2, 'p_b2': p_b2,
        'q_W1': q_W1, 'q_b1': q_b1, 'q_W2': q_W2, 'q_b2': q_b2,
    }


def reference(x, vec, senders, receivers, interaction_matrices,
              ln_scale, ln_bias, p_W1, p_b1, p_W2, p_b2,
              q_W1, q_b1, q_W2, q_b2):
    x_norm = layer_norm(x, ln_scale, ln_bias)
    # VecLayerNorm with norm_type='none' is an identity on the vector features
    vec_norm = vec
    p = mlp(x_norm, p_W1, p_b1, p_W2, p_b2)
    q = mlp(x_norm, q_W1, q_b1, q_W2, q_b2)
    p_i = p[receivers]                       # [E, C] gather
    q_j = q[senders]                         # [E, C] gather
    vec_j = vec_norm[senders]                # [E, 3, C] gather
    scaled_vec_j = q_j[:, None] * vec_j      # [E, 3, C]
    induced_field = jnp.einsum('eij,ejc->eic', interaction_matrices, scaled_vec_j)
    messages = p_i[:, None] * induced_field  # [E, 3, C]
    dvec = jax.ops.segment_sum(messages, receivers, num_segments=x.shape[0])
    return dvec

if __name__ == "__main__":
    import jax
    _d = setup_inputs()
    print(jax.jit(kernel)(*tuple(_d.values())))

</pallas_src>

<mosaic_0001>
#map = affine_map<(d0, d1) -> (0, 0)>
#map1 = affine_map<(d0, d1) -> (0)>
#map2 = affine_map<(d0, d1) -> (0, 0, 0)>
module attributes {stable_mosaic.version = 14 : i64} {
  func.func @body(%arg0: i32, %arg1: i32, %arg2: memref<40000x96xf32, #tpu.memory_space<hbm>>, %arg3: memref<160000xi32, #tpu.memory_space<hbm>>, %arg4: memref<160000xi32, #tpu.memory_space<hbm>>, %arg5: memref<160000x16xf32, #tpu.memory_space<hbm>>, %arg6: memref<4x10000x96xf32, #tpu.memory_space<hbm>>, %arg7: memref<80xi32, #tpu.memory_space<vmem>>, %arg8: memref<80xi32, #tpu.memory_space<vmem>>, %arg9: memref<80x16xf32, #tpu.memory_space<vmem>>, %arg10: memref<80x96xf32, #tpu.memory_space<vmem>>, %arg11: memref<80x96xf32, #tpu.memory_space<vmem>>, %arg12: memref<!tpu.dma_semaphore, #tpu.memory_space<semaphore_mem>>, %arg13: memref<10000x96xf32, #tpu.memory_space<vmem_shared>>) attributes {dimension_semantics = [#tpu.dimension_semantics<core_parallel>, #tpu.dimension_semantics<subcore_parallel>], iteration_bounds = array<i64: 2, 16>, scalar_prefetch = 0 : i64, scratch_operands = 7 : i64, tpu.core_type = #tpu.core_type<sc_vector_subcore>, window_params = [{transform_indices = #map}, {transform_indices = #map1}, {transform_indices = #map1}, {transform_indices = #map}, {transform_indices = #map2}]} {
    %broadcast_in_dim3A = arith.constant 0.000000e+00 : f32
    %broadcast_in_dim3A_0 = vector.broadcast %broadcast_in_dim3A : f32 to vector<16xf32>
    %scan3A = arith.constant 0 : i32
    %scan3A_1 = arith.constant 0 : i32
    %scan3A_2 = arith.constant 80 : i32
    %scan3A_3 = arith.addi %scan3A_1, %scan3A_2 : i32
    %scan3A_4 = arith.constant 1 : i32
    %scan3A_5 = scf.for %scan3A_62 = %scan3A_1 to %scan3A_3 step %scan3A_4 iter_args(%scan3A_63 = %scan3A) -> (i32)  : i32 {
      %swap3A = arith.index_cast %scan3A_62 : i32 to index
      %swap3A_64 = arith.constant 0 : index
      %swap3A_65 = tpu.vector_load %arg11[%swap3A, %swap3A_64] {strides = array<i32>} : memref<80x96xf32, #tpu.memory_space<vmem>>, vector<1x16xf32>,
      %swap3A_66 = vector.shape_cast %swap3A_65 : vector<1x16xf32> to vector<16xf32>
      %swap3A_67 = vector.shape_cast %broadcast_in_dim3A_0 : vector<16xf32> to vector<1x16xf32>
      tpu.vector_store %arg11[%swap3A, %swap3A_64], %swap3A_67 {strides = array<i32>} : memref<80x96xf32, #tpu.memory_space<vmem>>, vector<1x16xf32>,
      %swap3A_68 = arith.index_cast %scan3A_62 : i32 to index
      %swap3A_69 = arith.constant 16 : index
      %swap3A_70 = tpu.vector_load %arg11[%swap3A_68, %swap3A_69] {strides = array<i32>} : memref<80x96xf32, #tpu.memory_space<vmem>>, vector<1x16xf32>,
      %swap3A_71 = vector.shape_cast %swap3A_70 : vector<1x16xf32> to vector<16xf32>
      %swap3A_72 = vector.shape_cast %broadcast_in_dim3A_0 : vector<16xf32> to vector<1x16xf32>
      tpu.vector_store %arg11[%swap3A_68, %swap3A_69], %swap3A_72 {strides = array<i32>} : memref<80x96xf32, #tpu.memory_space<vmem>>, vector<1x16xf32>,
      %swap3A_73 = arith.index_cast %scan3A_62 : i32 to index
      %swap3A_74 = arith.constant 32 : index
      %swap3A_75 = tpu.vector_load %arg11[%swap3A_73, %swap3A_74] {strides = array<i32>} : memref<80x96xf32, #tpu.memory_space<vmem>>, vector<1x16xf32>,
      %swap3A_76 = vector.shape_cast %swap3A_75 : vector<1x16xf32> to vector<16xf32>
      %swap3A_77 = vector.shape_cast %broadcast_in_dim3A_0 : vector<16xf32> to vector<1x16xf32>
      tpu.vector_store %arg11[%swap3A_73, %swap3A_74], %swap3A_77 {strides = array<i32>} : memref<80x96xf32, #tpu.memory_space<vmem>>, vector<1x16xf32>,
      %swap3A_78 = arith.index_cast %scan3A_62 : i32 to index
      %swap3A_79 = arith.constant 48 : index
      %swap3A_80 = tpu.vector_load %arg11[%swap3A_78, %swap3A_79] {strides = array<i32>} : memref<80x96xf32, #tpu.memory_space<vmem>>, vector<1x16xf32>,
      %swap3A_81 = vector.shape_cast %swap3A_80 : vector<1x16xf32> to vector<16xf32>
      %swap3A_82 = vector.shape_cast %broadcast_in_dim3A_0 : vector<16xf32> to vector<1x16xf32>
      tpu.vector_store %arg11[%swap3A_78, %swap3A_79], %swap3A_82 {strides = array<i32>} : memref<80x96xf32, #tpu.memory_space<vmem>>, vector<1x16xf32>,
      %swap3A_83 = arith.index_cast %scan3A_62 : i32 to index
      %swap3A_84 = arith.constant 64 : index
      %swap3A_85 = tpu.vector_load %arg11[%swap3A_83, %swap3A_84] {strides = array<i32>} : memref<80x96xf32, #tpu.memory_space<vmem>>, vector<1x16xf32>,
      %swap3A_86 = vector.shape_cast %swap3A_85 : vector<1x16xf32> to vector<16xf32>
      %swap3A_87 = vector.shape_cast %broadcast_in_dim3A_0 : vector<16xf32> to vector<1x16xf32>
      tpu.vector_store %arg11[%swap3A_83, %swap3A_84], %swap3A_87 {strides = array<i32>} : memref<80x96xf32, #tpu.memory_space<vmem>>, vector<1x16xf32>,
      %swap3A_88 = arith.index_cast %scan3A_62 : i32 to index
      %swap3A_89 = arith.constant 80 : index
      %swap3A_90 = tpu.vector_load %arg11[%swap3A_88, %swap3A_89] {strides = array<i32>} : memref<80x96xf32, #tpu.memory_space<vmem>>, vector<1x16xf32>,
      %swap3A_91 = vector.shape_cast %swap3A_90 : vector<1x16xf32> to vector<16xf32>
      %swap3A_92 = vector.shape_cast %broadcast_in_dim3A_0 : vector<16xf32> to vector<1x16xf32>
      tpu.vector_store %arg11[%swap3A_88, %swap3A_89], %swap3A_92 {strides = array<i32>} : memref<80x96xf32, #tpu.memory_space<vmem>>, vector<1x16xf32>,
      %scan3A_93 = arith.constant 0 : i32
      scf.yield %scan3A_93 : i32
    }
    %scan3A_6 = arith.constant 80 : i32
    %mul3A = arith.constant 625 : i32
    %mul3A_7 = arith.muli %arg1, %mul3A : i32
    %mul3A_8 = arith.constant 10000 : i32
    %mul3A_9 = arith.muli %arg1, %mul3A_8 : i32
    %add3A = arith.constant 0 : i32
    %add3A_10 = arith.addi %mul3A_7, %add3A : i32
    "tpu.region"() ({
      %run_scoped3A = tpu.sem_alloc : memref<!tpu.dma_semaphore, #tpu.memory_space<semaphore_mem>>
      %dma_start3A = arith.constant 0 : i32
      %dma_start3A_62 = tpu.memref_slice %arg13[%add3A_10, %dma_start3A] : memref<10000x96xf32, #tpu.memory_space<vmem_shared>> -> memref<80x96xf32, #tpu.memory_space<vmem_shared>>
      %dma_start3A_63 = arith.constant 0 : i32
      %dma_start3A_64 = tpu.memref_slice %arg13[%add3A_10, %dma_start3A_63] : memref<10000x96xf32, #tpu.memory_space<vmem_shared>> -> memref<80x96xf32, #tpu.memory_space<vmem_shared>>
      tpu.enqueue_dma source(%arg11 : memref<80x96xf32, #tpu.memory_space<vmem>>) target(%dma_start3A_64 : memref<80x96xf32, #tpu.memory_space<vmem_shared>>) target_semaphore(%run_scoped3A : memref<!tpu.dma_semaphore, #tpu.memory_space<semaphore_mem>>)
      %dma_wait3A = arith.constant 0 : i32
      %dma_wait3A_65 = tpu.memref_slice %arg13[%add3A_10, %dma_wait3A] : memref<10000x96xf32, #tpu.memory_space<vmem_shared>> -> memref<80x96xf32, #tpu.memory_space<vmem_shared>>
      %dma_wait3A_66 = arith.constant 0 : i32
      %dma_wait3A_67 = tpu.memref_slice %arg13[%add3A_10, %dma_wait3A_66] : memref<10000x96xf32, #tpu.memory_space<vmem_shared>> -> memref<80x96xf32, #tpu.memory_space<vmem_shared>>
      tpu.wait_dma2 semaphore(%run_scoped3A : memref<!tpu.dma_semaphore, #tpu.memory_space<semaphore_mem>>) src(%arg11 : memref<80x96xf32, #tpu.memory_space<vmem>>) dst(%dma_wait3A_67 : memref<80x96xf32, #tpu.memory_space<vmem_shared>>)
      tpu.yield
    }) : () -> ()
    %add3A_11 = arith.constant 80 : i32
    %add3A_12 = arith.addi %mul3A_7, %add3A_11 : i32
    "tpu.region"() ({
      %run_scoped3A = tpu.sem_alloc : memref<!tpu.dma_semaphore, #tpu.memory_space<semaphore_mem>>
      %dma_start3A = arith.constant 0 : i32
      %dma_start3A_62 = tpu.memref_slice %arg13[%add3A_12, %dma_start3A] : memref<10000x96xf32, #tpu.memory_space<vmem_shared>> -> memref<80x96xf32, #tpu.memory_space<vmem_shared>>
      %dma_start3A_63 = arith.constant 0 : i32
      %dma_start3A_64 = tpu.memref_slice %arg13[%add3A_12, %dma_start3A_63] : memref<10000x96xf32, #tpu.memory_space<vmem_shared>> -> memref<80x96xf32, #tpu.memory_space<vmem_shared>>
      tpu.enqueue_dma source(%arg11 : memref<80x96xf32, #tpu.memory_space<vmem>>) target(%dma_start3A_64 : memref<80x96xf32, #tpu.memory_space<vmem_shared>>) target_semaphore(%run_scoped3A : memref<!tpu.dma_semaphore, #tpu.memory_space<semaphore_mem>>)
      %dma_wait3A = arith.constant 0 : i32
      %dma_wait3A_65 = tpu.memref_slice %arg13[%add3A_12, %dma_wait3A] : memref<10000x96xf32, #tpu.memory_space<vmem_shared>> -> memref<80x96xf32, #tpu.memory_space<vmem_shared>>
      %dma_wait3A_66 = arith.constant 0 : i32
      %dma_wait3A_67 = tpu.memref_slice %arg13[%add3A_12, %dma_wait3A_66] : memref<10000x96xf32, #tpu.memory_space<vmem_shared>> -> memref<80x96xf32, #tpu.memory_space<vmem_shared>>
      tpu.wait_dma2 semaphore(%run_scoped3A : memref<!tpu.dma_semaphore, #tpu.memory_space<semaphore_mem>>) src(%arg11 : memref<80x96xf32, #tpu.memory_space<vmem>>) dst(%dma_wait3A_67 : memref<80x96xf32, #tpu.memory_space<vmem_shared>>)
      tpu.yield
    }) : () -> ()
    %add3A_13 = arith.constant 160 : i32
    %add3A_14 = arith.addi %mul3A_7, %add3A_13 : i32
    "tpu.region"() ({
      %run_scoped3A = tpu.sem_alloc : memref<!tpu.dma_semaphore, #tpu.memory_space<semaphore_mem>>
      %dma_start3A = arith.constant 0 : i32
      %dma_start3A_62 = tpu.memref_slice %arg13[%add3A_14, %dma_start3A] : memref<10000x96xf32, #tpu.memory_space<vmem_shared>> -> memref<80x96xf32, #tpu.memory_space<vmem_shared>>
      %dma_start3A_63 = arith.constant 0 : i32
      %dma_start3A_64 = tpu.memref_slice %arg13[%add3A_14, %dma_start3A_63] : memref<10000x96xf32, #tpu.memory_space<vmem_shared>> -> memref<80x96xf32, #tpu.memory_space<vmem_shared>>
      tpu.enqueue_dma source(%arg11 : memref<80x96xf32, #tpu.memory_space<vmem>>) target(%dma_start3A_64 : memref<80x96xf32, #tpu.memory_space<vmem_shared>>) target_semaphore(%run_scoped3A : memref<!tpu.dma_semaphore, #tpu.memory_space<semaphore_mem>>)
      %dma_wait3A = arith.constant 0 : i32
      %dma_wait3A_65 = tpu.memref_slice %arg13[%add3A_14, %dma_wait3A] : memref<10000x96xf32, #tpu.memory_space<vmem_shared>> -> memref<80x96xf32, #tpu.memory_space<vmem_shared>>
      %dma_wait3A_66 = arith.constant 0 : i32
      %dma_wait3A_67 = tpu.memref_slice %arg13[%add3A_14, %dma_wait3A_66] : memref<10000x96xf32, #tpu.memory_space<vmem_shared>> -> memref<80x96xf32, #tpu.memory_space<vmem_shared>>
      tpu.wait_dma2 semaphore(%run_scoped3A : memref<!tpu.dma_semaphore, #tpu.memory_space<semaphore_mem>>) src(%arg11 : memref<80x96xf32, #tpu.memory_space<vmem>>) dst(%dma_wait3A_67 : memref<80x96xf32, #tpu.memory_space<vmem_shared>>)
      tpu.yield
    }) : () -> ()
    %add3A_15 = arith.constant 240 : i32
    %add3A_16 = arith.addi %mul3A_7, %add3A_15 : i32
    "tpu.region"() ({
      %run_scoped3A = tpu.sem_alloc : memref<!tpu.dma_semaphore, #tpu.memory_space<semaphore_mem>>
      %dma_start3A = arith.constant 0 : i32
      %dma_start3A_62 = tpu.memref_slice %arg13[%add3A_16, %dma_start3A] : memref<10000x96xf32, #tpu.memory_space<vmem_shared>> -> memref<80x96xf32, #tpu.memory_space<vmem_shared>>
      %dma_start3A_63 = arith.constant 0 : i32
      %dma_start3A_64 = tpu.memref_slice %arg13[%add3A_16, %dma_start3A_63] : memref<10000x96xf32, #tpu.memory_space<vmem_shared>> -> memref<80x96xf32, #tpu.memory_space<vmem_shared>>
      tpu.enqueue_dma source(%arg11 : memref<80x96xf32, #tpu.memory_space<vmem>>) target(%dma_start3A_64 : memref<80x96xf32, #tpu.memory_space<vmem_shared>>) target_semaphore(%run_scoped3A : memref<!tpu.dma_semaphore, #tpu.memory_space<semaphore_mem>>)
      %dma_wait3A = arith.constant 0 : i32
      %dma_wait3A_65 = tpu.memref_slice %arg13[%add3A_16, %dma_wait3A] : memref<10000x96xf32, #tpu.memory_space<vmem_shared>> -> memref<80x96xf32, #tpu.memory_space<vmem_shared>>
      %dma_wait3A_66 = arith.constant 0 : i32
      %dma_wait3A_67 = tpu.memref_slice %arg13[%add3A_16, %dma_wait3A_66] : memref<10000x96xf32, #tpu.memory_space<vmem_shared>> -> memref<80x96xf32, #tpu.memory_space<vmem_shared>>
      tpu.wait_dma2 semaphore(%run_scoped3A : memref<!tpu.dma_semaphore, #tpu.memory_space<semaphore_mem>>) src(%arg11 : memref<80x96xf32, #tpu.memory_space<vmem>>) dst(%dma_wait3A_67 : memref<80x96xf32, #tpu.memory_space<vmem_shared>>)
      tpu.yield
    }) : () -> ()
    %add3A_17 = arith.constant 320 : i32
    %add3A_18 = arith.addi %mul3A_7, %add3A_17 : i32
    "tpu.region"() ({
      %run_scoped3A = tpu.sem_alloc : memref<!tpu.dma_semaphore, #tpu.memory_space<semaphore_mem>>
      %dma_start3A = arith.constant 0 : i32
      %dma_start3A_62 = tpu.memref_slice %arg13[%add3A_18, %dma_start3A] : memref<10000x96xf32, #tpu.memory_space<vmem_shared>> -> memref<80x96xf32, #tpu.memory_space<vmem_shared>>
      %dma_start3A_63 = arith.constant 0 : i32
      %dma_start3A_64 = tpu.memref_slice %arg13[%add3A_18, %dma_start3A_63] : memref<10000x96xf32, #tpu.memory_space<vmem_shared>> -> memref<80x96xf32, #tpu.memory_space<vmem_shared>>
      tpu.enqueue_dma source(%arg11 : memref<80x96xf32, #tpu.memory_space<vmem>>) target(%dma_start3A_64 : memref<80x96xf32, #tpu.memory_space<vmem_shared>>) target_semaphore(%run_scoped3A : memref<!tpu.dma_semaphore, #tpu.memory_space<semaphore_mem>>)
      %dma_wait3A = arith.constant 0 : i32
      %dma_wait3A_65 = tpu.memref_slice %arg13[%add3A_18, %dma_wait3A] : memref<10000x96xf32, #tpu.memory_space<vmem_shared>> -> memref<80x96xf32, #tpu.memory_space<vmem_shared>>
      %dma_wait3A_66 = arith.constant 0 : i32
      %dma_wait3A_67 = tpu.memref_slice %arg13[%add3A_18, %dma_wait3A_66] : memref<10000x96xf32, #tpu.memory_space<vmem_shared>> -> memref<80x96xf32, #tpu.memory_space<vmem_shared>>
      tpu.wait_dma2 semaphore(%run_scoped3A : memref<!tpu.dma_semaphore, #tpu.memory_space<semaphore_mem>>) src(%arg11 : memref<80x96xf32, #tpu.memory_space<vmem>>) dst(%dma_wait3A_67 : memref<80x96xf32, #tpu.memory_space<vmem_shared>>)
      tpu.yield
    }) : () -> ()
    %add3A_19 = arith.constant 400 : i32
    %add3A_20 = arith.addi %mul3A_7, %add3A_19 : i32
    "tpu.region"() ({
      %run_scoped3A = tpu.sem_alloc : memref<!tpu.dma_semaphore, #tpu.memory_space<semaphore_mem>>
      %dma_start3A = arith.constant 0 : i32
      %dma_start3A_62 = tpu.memref_slice %arg13[%add3A_20, %dma_start3A] : memref<10000x96xf32, #tpu.memory_space<vmem_shared>> -> memref<80x96xf32, #tpu.memory_space<vmem_shared>>
      %dma_start3A_63 = arith.constant 0 : i32
      %dma_start3A_64 = tpu.memref_slice %arg13[%add3A_20, %dma_start3A_63] : memref<10000x96xf32, #tpu.memory_space<vmem_shared>> -> memref<80x96xf32, #tpu.memory_space<vmem_shared>>
      tpu.enqueue_dma source(%arg11 : memref<80x96xf32, #tpu.memory_space<vmem>>) target(%dma_start3A_64 : memref<80x96xf32, #tpu.memory_space<vmem_shared>>) target_semaphore(%run_scoped3A : memref<!tpu.dma_semaphore, #tpu.memory_space<semaphore_mem>>)
      %dma_wait3A = arith.constant 0 : i32
      %dma_wait3A_65 = tpu.memref_slice %arg13[%add3A_20, %dma_wait3A] : memref<10000x96xf32, #tpu.memory_space<vmem_shared>> -> memref<80x96xf32, #tpu.memory_space<vmem_shared>>
      %dma_wait3A_66 = arith.constant 0 : i32
      %dma_wait3A_67 = tpu.memref_slice %arg13[%add3A_20, %dma_wait3A_66] : memref<10000x96xf32, #tpu.memory_space<vmem_shared>> -> memref<80x96xf32, #tpu.memory_space<vmem_shared>>
      tpu.wait_dma2 semaphore(%run_scoped3A : memref<!tpu.dma_semaphore, #tpu.memory_space<semaphore_mem>>) src(%arg11 : memref<80x96xf32, #tpu.memory_space<vmem>>) dst(%dma_wait3A_67 : memref<80x96xf32, #tpu.memory_space<vmem_shared>>)
      tpu.yield
    }) : () -> ()
    %add3A_21 = arith.constant 480 : i32
    %add3A_22 = arith.addi %mul3A_7, %add3A_21 : i32
    "tpu.region"() ({
      %run_scoped3A = tpu.sem_alloc : memref<!tpu.dma_semaphore, #tpu.memory_space<semaphore_mem>>
      %dma_start3A = arith.constant 0 : i32
      %dma_start3A_62 = tpu.memref_slice %arg13[%add3A_22, %dma_start3A] : memref<10000x96xf32, #tpu.memory_space<vmem_shared>> -> memref<80x96xf32, #tpu.memory_space<vmem_shared>>
      %dma_start3A_63 = arith.constant 0 : i32
      %dma_start3A_64 = tpu.memref_slice %arg13[%add3A_22, %dma_start3A_63] : memref<10000x96xf32, #tpu.memory_space<vmem_shared>> -> memref<80x96xf32, #tpu.memory_space<vmem_shared>>
      tpu.enqueue_dma source(%arg11 : memref<80x96xf32, #tpu.memory_space<vmem>>) target(%dma_start3A_64 : memref<80x96xf32, #tpu.memory_space<vmem_shared>>) target_semaphore(%run_scoped3A : memref<!tpu.dma_semaphore, #tpu.memory_space<semaphore_mem>>)
      %dma_wait3A = arith.constant 0 : i32
      %dma_wait3A_65 = tpu.memref_slice %arg13[%add3A_22, %dma_wait3A] : memref<10000x96xf32, #tpu.memory_space<vmem_shared>> -> memref<80x96xf32, #tpu.memory_space<vmem_shared>>
      %dma_wait3A_66 = arith.constant 0 : i32
      %dma_wait3A_67 = tpu.memref_slice %arg13[%add3A_22, %dma_wait3A_66] : memref<10000x96xf32, #tpu.memory_space<vmem_shared>> -> memref<80x96xf32, #tpu.memory_space<vmem_shared>>
      tpu.wait_dma2 semaphore(%run_scoped3A : memref<!tpu.dma_semaphore, #tpu.memory_space<semaphore_mem>>) src(%arg11 : memref<80x96xf32, #tpu.memory_space<vmem>>) dst(%dma_wait3A_67 : memref<80x96xf32, #tpu.memory_space<vmem_shared>>)
      tpu.yield
    }) : () -> ()
    %add3A_23 = arith.constant 560 : i32
    %add3A_24 = arith.addi %mul3A_7, %add3A_23 : i32
    "tpu.region"() ({
      %run_scoped3A = tpu.sem_alloc : memref<!tpu.dma_semaphore, #tpu.memory_space<semaphore_mem>>
      %dma_start3A = arith.constant 0 : i32
      %dma_start3A_62 = arith.constant 0 : i32
      %dma_start3A_63 = tpu.memref_slice %arg11[%dma_start3A, %dma_start3A_62] : memref<80x96xf32, #tpu.memory_space<vmem>> -> memref<65x96xf32, #tpu.memory_space<vmem>>
      %dma_start3A_64 = arith.constant 0 : i32
      %dma_start3A_65 = tpu.memref_slice %arg13[%add3A_24, %dma_start3A_64] : memref<10000x96xf32, #tpu.memory_space<vmem_shared>> -> memref<65x96xf32, #tpu.memory_space<vmem_shared>>
      %dma_start3A_66 = arith.constant 0 : i32
      %dma_start3A_67 = tpu.memref_slice %arg13[%add3A_24, %dma_start3A_66] : memref<10000x96xf32, #tpu.memory_space<vmem_shared>> -> memref<65x96xf32, #tpu.memory_space<vmem_shared>>
      %dma_start3A_68 = arith.constant 0 : i32
      %dma_start3A_69 = arith.constant 0 : i32
      %dma_start3A_70 = tpu.memref_slice %arg11[%dma_start3A_68, %dma_start3A_69] : memref<80x96xf32, #tpu.memory_space<vmem>> -> memref<65x96xf32, #tpu.memory_space<vmem>>
      tpu.enqueue_dma source(%dma_start3A_70 : memref<65x96xf32, #tpu.memory_space<vmem>>) target(%dma_start3A_67 : memref<65x96xf32, #tpu.memory_space<vmem_shared>>) target_semaphore(%run_scoped3A : memref<!tpu.dma_semaphore, #tpu.memory_space<semaphore_mem>>)
      %dma_wait3A = arith.constant 0 : i32
      %dma_wait3A_71 = arith.constant 0 : i32
      %dma_wait3A_72 = tpu.memref_slice %arg11[%dma_wait3A, %dma_wait3A_71] : memref<80x96xf32, #tpu.memory_space<vmem>> -> memref<65x96xf32, #tpu.memory_space<vmem>>
      %dma_wait3A_73 = arith.constant 0 : i32
      %dma_wait3A_74 = tpu.memref_slice %arg13[%add3A_24, %dma_wait3A_73] : memref<10000x96xf32, #tpu.memory_space<vmem_shared>> -> memref<65x96xf32, #tpu.memory_space<vmem_shared>>
      %dma_wait3A_75 = arith.constant 0 : i32
      %dma_wait3A_76 = tpu.memref_slice %arg13[%add3A_24, %dma_wait3A_75] : memref<10000x96xf32, #tpu.memory_space<vmem_shared>> -> memref<65x96xf32, #tpu.memory_space<vmem_shared>>
      %dma_wait3A_77 = arith.constant 0 : i32
      %dma_wait3A_78 = arith.constant 0 : i32
      %dma_wait3A_79 = tpu.memref_slice %arg11[%dma_wait3A_77, %dma_wait3A_78] : memref<80x96xf32, #tpu.memory_space<vmem>> -> memref<65x96xf32, #tpu.memory_space<vmem>>
      tpu.wait_dma2 semaphore(%run_scoped3A : memref<!tpu.dma_semaphore, #tpu.memory_space<semaphore_mem>>) src(%dma_wait3A_79 : memref<65x96xf32, #tpu.memory_space<vmem>>) dst(%dma_wait3A_76 : memref<65x96xf32, #tpu.memory_space<vmem_shared>>)
      tpu.yield
    }) : () -> ()
    %barrier3A = arith.constant 0 : index
    tpu.barrier barrier_id(%barrier3A)
    %scan3A_25 = arith.constant 0 : i32
    %scan3A_26 = arith.constant 0 : i32
    %scan3A_27 = arith.constant 125 : i32
    %scan3A_28 = arith.addi %scan3A_26, %scan3A_27 : i32
    %scan3A_29 = arith.constant 1 : i32
    %scan3A_30 = scf.for %scan3A_62 = %scan3A_26 to %scan3A_28 step %scan3A_29 iter_args(%scan3A_63 = %scan3A_25) -> (i32)  : i32 {
      %mul3A_64 = arith.constant 80 : i32
      %mul3A_65 = arith.muli %scan3A_62, %mul3A_64 : i32
      %add3A_66 = arith.addi %mul3A_9, %mul3A_65 : i32
      "tpu.region"() ({
        %run_scoped3A = tpu.sem_alloc : memref<!tpu.dma_semaphore, #tpu.memory_space<semaphore_mem>>
        %dma_start3A_86 = tpu.memref_slice %arg3[%add3A_66] : memref<160000xi32, #tpu.memory_space<hbm>> -> memref<80xi32, #tpu.memory_space<hbm>>
        %dma_start3A_87 = tpu.memref_slice %arg3[%add3A_66] : memref<160000xi32, #tpu.memory_space<hbm>> -> memref<80xi32, #tpu.memory_space<hbm>>
        tpu.enqueue_dma source(%dma_start3A_87 : memref<80xi32, #tpu.memory_space<hbm>>) target(%arg7 : memref<80xi32, #tpu.memory_space<vmem>>) target_semaphore(%run_scoped3A : memref<!tpu.dma_semaphore, #tpu.memory_space<semaphore_mem>>)
        %dma_wait3A_88 = tpu.memref_slice %arg3[%add3A_66] : memref<160000xi32, #tpu.memory_space<hbm>> -> memref<80xi32, #tpu.memory_space<hbm>>
        %dma_wait3A_89 = tpu.memref_slice %arg3[%add3A_66] : memref<160000xi32, #tpu.memory_space<hbm>> -> memref<80xi32, #tpu.memory_space<hbm>>
        tpu.wait_dma2 semaphore(%run_scoped3A : memref<!tpu.dma_semaphore, #tpu.memory_space<semaphore_mem>>) src(%dma_wait3A_89 : memref<80xi32, #tpu.memory_space<hbm>>) dst(%arg7 : memref<80xi32, #tpu.memory_space<vmem>>)
        tpu.yield
      }) : () -> ()
      %scan3A_67 = arith.constant 0 : i32
      %scan3A_68 = arith.constant 0 : i32
      %scan3A_69 = arith.constant 5 : i32
      %scan3A_70 = arith.addi %scan3A_68, %scan3A_69 : i32
      %scan3A_71 = arith.constant 1 : i32
      %scan3A_72 = scf.for %scan3A_86 = %scan3A_68 to %scan3A_70 step %scan3A_71 iter_args(%scan3A_87 = %scan3A_67) -> (i32)  : i32 {
        %mul3A_88 = arith.constant 16 : i32
        %mul3A_89 = arith.muli %scan3A_86, %mul3A_88 : i32
        %get3A = arith.index_cast %mul3A_89 : i32 to index
        %get3A_90 = tpu.vector_load %arg7[%get3A] {strides = array<i32>} : memref<80xi32, #tpu.memory_space<vmem>>, vector<16xi32>,
        %get3A_91 = vector.shape_cast %get3A_90 : vector<16xi32> to vector<16xi32>
        %mul3A_92 = arith.constant 4 : i32
        %mul3A_93 = vector.broadcast %mul3A_92 : i32 to vector<16xi32>
        %mul3A_94 = arith.muli %get3A_91, %mul3A_93 : vector<16xi32>
        %add3A_95 = arith.constant 0 : i32
        %add3A_96 = arith.addi %arg0, %add3A_95 : i32
        %add3A_97 = vector.broadcast %add3A_96 : i32 to vector<16xi32>
        %add3A_98 = arith.addi %mul3A_94, %add3A_97 : vector<16xi32>
        %mul3A_99 = arith.constant 16 : i32
        %mul3A_100 = arith.muli %scan3A_86, %mul3A_99 : i32
        %swap3A = arith.index_cast %mul3A_100 : i32 to index
        %swap3A_101 = tpu.vector_load %arg7[%swap3A] {strides = array<i32>} : memref<80xi32, #tpu.memory_space<vmem>>, vector<16xi32>,
        %swap3A_102 = vector.shape_cast %swap3A_101 : vector<16xi32> to vector<16xi32>
        %swap3A_103 = vector.shape_cast %add3A_98 : vector<16xi32> to vector<16xi32>
        tpu.vector_store %arg7[%swap3A], %swap3A_103 {strides = array<i32>} : memref<80xi32, #tpu.memory_space<vmem>>, vector<16xi32>,
        %scan3A_104 = arith.constant 0 : i32
        scf.yield %scan3A_104 : i32
      }
      %scan3A_73 = arith.constant 5 : i32
      "tpu.region"() ({
        %run_scoped3A = tpu.sem_alloc : memref<!tpu.dma_semaphore, #tpu.memory_space<semaphore_mem>>
        %dma_start3A_86 = tpu.memref_slice %arg4[%add3A_66] : memref<160000xi32, #tpu.memory_space<hbm>> -> memref<80xi32, #tpu.memory_space<hbm>>
        %dma_start3A_87 = tpu.memref_slice %arg4[%add3A_66] : memref<160000xi32, #tpu.memory_space<hbm>> -> memref<80xi32, #tpu.memory_space<hbm>>
        tpu.enqueue_dma source(%dma_start3A_87 : memref<80xi32, #tpu.memory_space<hbm>>) target(%arg8 : memref<80xi32, #tpu.memory_space<vmem>>) target_semaphore(%run_scoped3A : memref<!tpu.dma_semaphore, #tpu.memory_space<semaphore_mem>>)
        %dma_wait3A_88 = tpu.memref_slice %arg4[%add3A_66] : memref<160000xi32, #tpu.memory_space<hbm>> -> memref<80xi32, #tpu.memory_space<hbm>>
        %dma_wait3A_89 = tpu.memref_slice %arg4[%add3A_66] : memref<160000xi32, #tpu.memory_space<hbm>> -> memref<80xi32, #tpu.memory_space<hbm>>
        tpu.wait_dma2 semaphore(%run_scoped3A : memref<!tpu.dma_semaphore, #tpu.memory_space<semaphore_mem>>) src(%dma_wait3A_89 : memref<80xi32, #tpu.memory_space<hbm>>) dst(%arg8 : memref<80xi32, #tpu.memory_space<vmem>>)
        tpu.yield
      }) : () -> ()
      "tpu.region"() ({
        %run_scoped3A = tpu.sem_alloc : memref<!tpu.dma_semaphore, #tpu.memory_space<semaphore_mem>>
        %dma_start3A_86 = arith.constant 0 : i32
        %dma_start3A_87 = tpu.memref_slice %arg5[%add3A_66, %dma_start3A_86] : memref<160000x16xf32, #tpu.memory_space<hbm>> -> memref<80x16xf32, #tpu.memory_space<hbm>>
        %dma_start3A_88 = arith.constant 0 : i32
        %dma_start3A_89 = tpu.memref_slice %arg5[%add3A_66, %dma_start3A_88] : memref<160000x16xf32, #tpu.memory_space<hbm>> -> memref<80x16xf32, #tpu.memory_space<hbm>>
        tpu.enqueue_dma source(%dma_start3A_89 : memref<80x16xf32, #tpu.memory_space<hbm>>) target(%arg9 : memref<80x16xf32, #tpu.memory_space<vmem>>) target_semaphore(%run_scoped3A : memref<!tpu.dma_semaphore, #tpu.memory_space<semaphore_mem>>)
        %dma_wait3A_90 = arith.constant 0 : i32
        %dma_wait3A_91 = tpu.memref_slice %arg5[%add3A_66, %dma_wait3A_90] : memref<160000x16xf32, #tpu.memory_space<hbm>> -> memref<80x16xf32, #tpu.memory_space<hbm>>
        %dma_wait3A_92 = arith.constant 0 : i32
        %dma_wait3A_93 = tpu.memref_slice %arg5[%add3A_66, %dma_wait3A_92] : memref<160000x16xf32, #tpu.memory_space<hbm>> -> memref<80x16xf32, #tpu.memory_space<hbm>>
        tpu.wait_dma2 semaphore(%run_scoped3A : memref<!tpu.dma_semaphore, #tpu.memory_space<semaphore_mem>>) src(%dma_wait3A_93 : memref<80x16xf32, #tpu.memory_space<hbm>>) dst(%arg9 : memref<80x16xf32, #tpu.memory_space<vmem>>)
        tpu.yield
      }) : () -> ()
      %dma_start3A = arith.constant 0 : i32
      %dma_start3A_74 = arith.constant 0 : i32
      %dma_start3A_75 = tpu.memref_slice %arg2[%dma_start3A, %dma_start3A_74] : memref<40000x96xf32, #tpu.memory_space<hbm>> -> memref<40000x96xf32, #tpu.memory_space<hbm>>
      tpu.enqueue_indirect_dma source(%dma_start3A_75 : memref<40000x96xf32, #tpu.memory_space<hbm>>) target(%arg10 : memref<80x96xf32, #tpu.memory_space<vmem>>) offsets(%arg7 : memref<80xi32, #tpu.memory_space<vmem>>) semaphore(%arg12 : memref<!tpu.dma_semaphore, #tpu.memory_space<semaphore_mem>>)
      %dma_wait3A = arith.constant 0 : i32
      %dma_wait3A_76 = arith.constant 0 : i32
      %dma_wait3A_77 = tpu.memref_slice %arg2[%dma_wait3A, %dma_wait3A_76] : memref<40000x96xf32, #tpu.memory_space<hbm>> -> memref<40000x96xf32, #tpu.memory_space<hbm>>
      tpu.wait_indirect_dma semaphore(%arg12 : memref<!tpu.dma_semaphore, #tpu.memory_space<semaphore_mem>>) src(%dma_wait3A_77 : memref<40000x96xf32, #tpu.memory_space<hbm>>) dst(%arg10 : memref<80x96xf32, #tpu.memory_space<vmem>>)
      %scan3A_78 = arith.constant 0 : i32
      %scan3A_79 = arith.constant 0 : i32
      %scan3A_80 = arith.constant 80 : i32
      %scan3A_81 = arith.addi %scan3A_79, %scan3A_80 : i32
      %scan3A_82 = arith.constant 1 : i32
      %scan3A_83 = scf.for %scan3A_86 = %scan3A_79 to %scan3A_81 step %scan3A_82 iter_args(%scan3A_87 = %scan3A_78) -> (i32)  : i32 {
        %get3A = arith.index_cast %scan3A_86 : i32 to index
        %get3A_88 = arith.constant 0 : index
        %get3A_89 = tpu.vector_load %arg9[%get3A, %get3A_88] {strides = array<i32>} : memref<80x16xf32, #tpu.memory_space<vmem>>, vector<1x16xf32>,
        %get3A_90 = vector.shape_cast %get3A_89 : vector<1x16xf32> to vector<16xf32>
        %slice3A = vector.extract_strided_slice %get3A_90 {offsets = [0], sizes = [1], strides = [1]} : vector<16xf32> to vector<1xf32>
        %squeeze3A = vector.extract %slice3A[0] : f32 from vector<1xf32>
        %slice3A_91 = vector.extract_strided_slice %get3A_90 {offsets = [1], sizes = [1], strides = [1]} : vector<16xf32> to vector<1xf32>
        %squeeze3A_92 = vector.extract %slice3A_91[0] : f32 from vector<1xf32>
        %slice3A_93 = vector.extract_strided_slice %get3A_90 {offsets = [2], sizes = [1], strides = [1]} : vector<16xf32> to vector<1xf32>
        %squeeze3A_94 = vector.extract %slice3A_93[0] : f32 from vector<1xf32>
        %slice3A_95 = vector.extract_strided_slice %get3A_90 {offsets = [3], sizes = [1], strides = [1]} : vector<16xf32> to vector<1xf32>
        %squeeze3A_96 = vector.extract %slice3A_95[0] : f32 from vector<1xf32>
        %slice3A_97 = vector.extract_strided_slice %get3A_90 {offsets = [4], sizes = [1], strides = [1]} : vector<16xf32> to vector<1xf32>
        %squeeze3A_98 = vector.extract %slice3A_97[0] : f32 from vector<1xf32>
        %slice3A_99 = vector.extract_strided_slice %get3A_90 {offsets = [5], sizes = [1], strides = [1]} : vector<16xf32> to vector<1xf32>
        %squeeze3A_100 = vector.extract %slice3A_99[0] : f32 from vector<1xf32>
        %slice3A_101 = vector.extract_strided_slice %get3A_90 {offsets = [6], sizes = [1], strides = [1]} : vector<16xf32> to vector<1xf32>
        %squeeze3A_102 = vector.extract %slice3A_101[0] : f32 from vector<1xf32>
        %slice3A_103 = vector.extract_strided_slice %get3A_90 {offsets = [7], sizes = [1], strides = [1]} : vector<16xf32> to vector<1xf32>
        %squeeze3A_104 = vector.extract %slice3A_103[0] : f32 from vector<1xf32>
        %slice3A_105 = vector.extract_strided_slice %get3A_90 {offsets = [8], sizes = [1], strides = [1]} : vector<16xf32> to vector<1xf32>
        %squeeze3A_106 = vector.extract %slice3A_105[0] : f32 from vector<1xf32>
        %get3A_107 = arith.index_cast %scan3A_86 : i32 to index
        %get3A_108 = arith.constant 0 : index
        %get3A_109 = tpu.vector_load %arg10[%get3A_107, %get3A_108] {strides = array<i32>} : memref<80x96xf32, #tpu.memory_space<vmem>>, vector<1x16xf32>,
        %get3A_110 = vector.shape_cast %get3A_109 : vector<1x16xf32> to vector<16xf32>
        %get3A_111 = arith.index_cast %scan3A_86 : i32 to index
        %get3A_112 = arith.constant 16 : index
        %get3A_113 = tpu.vector_load %arg10[%get3A_111, %get3A_112] {strides = array<i32>} : memref<80x96xf32, #tpu.memory_space<vmem>>, vector<1x16xf32>,
        %get3A_114 = vector.shape_cast %get3A_113 : vector<1x16xf32> to vector<16xf32>
        %get3A_115 = arith.index_cast %scan3A_86 : i32 to index
        %get3A_116 = arith.constant 32 : index
        %get3A_117 = tpu.vector_load %arg10[%get3A_115, %get3A_116] {strides = array<i32>} : memref<80x96xf32, #tpu.memory_space<vmem>>, vector<1x16xf32>,
        %get3A_118 = vector.shape_cast %get3A_117 : vector<1x16xf32> to vector<16xf32>
        %get3A_119 = arith.index_cast %scan3A_86 : i32 to index
        %get3A_120 = arith.constant 48 : index
        %get3A_121 = tpu.vector_load %arg10[%get3A_119, %get3A_120] {strides = array<i32>} : memref<80x96xf32, #tpu.memory_space<vmem>>, vector<1x16xf32>,
        %get3A_122 = vector.shape_cast %get3A_121 : vector<1x16xf32> to vector<16xf32>
        %get3A_123 = arith.index_cast %scan3A_86 : i32 to index
        %get3A_124 = arith.constant 64 : index
        %get3A_125 = tpu.vector_load %arg10[%get3A_123, %get3A_124] {strides = array<i32>} : memref<80x96xf32, #tpu.memory_space<vmem>>, vector<1x16xf32>,
        %get3A_126 = vector.shape_cast %get3A_125 : vector<1x16xf32> to vector<16xf32>
        %get3A_127 = arith.index_cast %scan3A_86 : i32 to index
        %get3A_128 = arith.constant 80 : index
        %get3A_129 = tpu.vector_load %arg10[%get3A_127, %get3A_128] {strides = array<i32>} : memref<80x96xf32, #tpu.memory_space<vmem>>, vector<1x16xf32>,
        %get3A_130 = vector.shape_cast %get3A_129 : vector<1x16xf32> to vector<16xf32>
        %mul3A_131 = vector.broadcast %squeeze3A : f32 to vector<16xf32>
        %mul3A_132 = arith.mulf %mul3A_131, %get3A_110 : vector<16xf32>
        %mul3A_133 = vector.broadcast %squeeze3A_92 : f32 to vector<16xf32>
        %mul3A_134 = arith.mulf %mul3A_133, %get3A_118 : vector<16xf32>
        %add3A_135 = arith.addf %mul3A_132, %mul3A_134 : vector<16xf32>
        %mul3A_136 = vector.broadcast %squeeze3A_94 : f32 to vector<16xf32>
        %mul3A_137 = arith.mulf %mul3A_136, %get3A_126 : vector<16xf32>
        %add3A_138 = arith.addf %add3A_135, %mul3A_137 : vector<16xf32>
        %swap3A = arith.index_cast %scan3A_86 : i32 to index
        %swap3A_139 = arith.constant 0 : index
        %swap3A_140 = tpu.vector_load %arg10[%swap3A, %swap3A_139] {strides = array<i32>} : memref<80x96xf32, #tpu.memory_space<vmem>>, vector<1x16xf32>,
        %swap3A_141 = vector.shape_cast %swap3A_140 : vector<1x16xf32> to vector<16xf32>
        %swap3A_142 = vector.shape_cast %add3A_138 : vector<16xf32> to vector<1x16xf32>
        tpu.vector_store %arg10[%swap3A, %swap3A_139], %swap3A_142 {strides = array<i32>} : memref<80x96xf32, #tpu.memory_space<vmem>>, vector<1x16xf32>,
        %mul3A_143 = vector.broadcast %squeeze3A : f32 to vector<16xf32>
        %mul3A_144 = arith.mulf %mul3A_143, %get3A_114 : vector<16xf32>
        %mul3A_145 = vector.broadcast %squeeze3A_92 : f32 to vector<16xf32>
        %mul3A_146 = arith.mulf %mul3A_145, %get3A_122 : vector<16xf32>
        %add3A_147 = arith.addf %mul3A_144, %mul3A_146 : vector<16xf32>
        %mul3A_148 = vector.broadcast %squeeze3A_94 : f32 to vector<16xf32>
        %mul3A_149 = arith.mulf %mul3A_148, %get3A_130 : vector<16xf32>
        %add3A_150 = arith.addf %add3A_147, %mul3A_149 : vector<16xf32>
        %swap3A_151 = arith.index_cast %scan3A_86 : i32 to index
        %swap3A_152 = arith.constant 16 : index
        %swap3A_153 = tpu.vector_load %arg10[%swap3A_151, %swap3A_152] {strides = array<i32>} : memref<80x96xf32, #tpu.memory_space<vmem>>, vector<1x16xf32>,
        %swap3A_154 = vector.shape_cast %swap3A_153 : vector<1x16xf32> to vector<16xf32>
        %swap3A_155 = vector.shape_cast %add3A_150 : vector<16xf32> to vector<1x16xf32>
        tpu.vector_store %arg10[%swap3A_151, %swap3A_152], %swap3A_155 {strides = array<i32>} : memref<80x96xf32, #tpu.memory_space<vmem>>, vector<1x16xf32>,
        %mul3A_156 = vector.broadcast %squeeze3A_96 : f32 to vector<16xf32>
        %mul3A_157 = arith.mulf %mul3A_156, %get3A_110 : vector<16xf32>
        %mul3A_158 = vector.broadcast %squeeze3A_98 : f32 to vector<16xf32>
        %mul3A_159 = arith.mulf %mul3A_158, %get3A_118 : vector<16xf32>
        %add3A_160 = arith.addf %mul3A_157, %mul3A_159 : vector<16xf32>
        %mul3A_161 = vector.broadcast %squeeze3A_100 : f32 to vector<16xf32>
        %mul3A_162 = arith.mulf %mul3A_161, %get3A_126 : vector<16xf32>
        %add3A_163 = arith.addf %add3A_160, %mul3A_162 : vector<16xf32>
        %swap3A_164 = arith.index_cast %scan3A_86 : i32 to index
        %swap3A_165 = arith.constant 32 : index
        %swap3A_166 = tpu.vector_load %arg10[%swap3A_164, %swap3A_165] {strides = array<i32>} : memref<80x96xf32, #tpu.memory_space<vmem>>, vector<1x16xf32>,
        %swap3A_167 = vector.shape_cast %swap3A_166 : vector<1x16xf32> to vector<16xf32>
        %swap3A_168 = vector.shape_cast %add3A_163 : vector<16xf32> to vector<1x16xf32>
        tpu.vector_store %arg10[%swap3A_164, %swap3A_165], %swap3A_168 {strides = array<i32>} : memref<80x96xf32, #tpu.memory_space<vmem>>, vector<1x16xf32>,
        %mul3A_169 = vector.broadcast %squeeze3A_96 : f32 to vector<16xf32>
        %mul3A_170 = arith.mulf %mul3A_169, %get3A_114 : vector<16xf32>
        %mul3A_171 = vector.broadcast %squeeze3A_98 : f32 to vector<16xf32>
        %mul3A_172 = arith.mulf %mul3A_171, %get3A_122 : vector<16xf32>
        %add3A_173 = arith.addf %mul3A_170, %mul3A_172 : vector<16xf32>
        %mul3A_174 = vector.broadcast %squeeze3A_100 : f32 to vector<16xf32>
        %mul3A_175 = arith.mulf %mul3A_174, %get3A_130 : vector<16xf32>
        %add3A_176 = arith.addf %add3A_173, %mul3A_175 : vector<16xf32>
        %swap3A_177 = arith.index_cast %scan3A_86 : i32 to index
        %swap3A_178 = arith.constant 48 : index
        %swap3A_179 = tpu.vector_load %arg10[%swap3A_177, %swap3A_178] {strides = array<i32>} : memref<80x96xf32, #tpu.memory_space<vmem>>, vector<1x16xf32>,
        %swap3A_180 = vector.shape_cast %swap3A_179 : vector<1x16xf32> to vector<16xf32>
        %swap3A_181 = vector.shape_cast %add3A_176 : vector<16xf32> to vector<1x16xf32>
        tpu.vector_store %arg10[%swap3A_177, %swap3A_178], %swap3A_181 {strides = array<i32>} : memref<80x96xf32, #tpu.memory_space<vmem>>, vector<1x16xf32>,
        %mul3A_182 = vector.broadcast %squeeze3A_102 : f32 to vector<16xf32>
        %mul3A_183 = arith.mulf %mul3A_182, %get3A_110 : vector<16xf32>
        %mul3A_184 = vector.broadcast %squeeze3A_104 : f32 to vector<16xf32>
        %mul3A_185 = arith.mulf %mul3A_184, %get3A_118 : vector<16xf32>
        %add3A_186 = arith.addf %mul3A_183, %mul3A_185 : vector<16xf32>
        %mul3A_187 = vector.broadcast %squeeze3A_106 : f32 to vector<16xf32>
        %mul3A_188 = arith.mulf %mul3A_187, %get3A_126 : vector<16xf32>
        %add3A_189 = arith.addf %add3A_186, %mul3A_188 : vector<16xf32>
        %swap3A_190 = arith.index_cast %scan3A_86 : i32 to index
        %swap3A_191 = arith.constant 64 : index
        %swap3A_192 = tpu.vector_load %arg10[%swap3A_190, %swap3A_191] {strides = array<i32>} : memref<80x96xf32, #tpu.memory_space<vmem>>, vector<1x16xf32>,
        %swap3A_193 = vector.shape_cast %swap3A_192 : vector<1x16xf32> to vector<16xf32>
        %swap3A_194 = vector.shape_cast %add3A_189 : vector<16xf32> to vector<1x16xf32>
        tpu.vector_store %arg10[%swap3A_190, %swap3A_191], %swap3A_194 {strides = array<i32>} : memref<80x96xf32, #tpu.memory_space<vmem>>, vector<1x16xf32>,
        %mul3A_195 = vector.broadcast %squeeze3A_102 : f32 to vector<16xf32>
        %mul3A_196 = arith.mulf %mul3A_195, %get3A_114 : vector<16xf32>
        %mul3A_197 = vector.broadcast %squeeze3A_104 : f32 to vector<16xf32>
        %mul3A_198 = arith.mulf %mul3A_197, %get3A_122 : vector<16xf32>
        %add3A_199 = arith.addf %mul3A_196, %mul3A_198 : vector<16xf32>
        %mul3A_200 = vector.broadcast %squeeze3A_106 : f32 to vector<16xf32>
        %mul3A_201 = arith.mulf %mul3A_200, %get3A_130 : vector<16xf32>
        %add3A_202 = arith.addf %add3A_199, %mul3A_201 : vector<16xf32>
        %swap3A_203 = arith.index_cast %scan3A_86 : i32 to index
        %swap3A_204 = arith.constant 80 : index
        %swap3A_205 = tpu.vector_load %arg10[%swap3A_203, %swap3A_204] {strides = array<i32>} : memref<80x96xf32, #tpu.memory_space<vmem>>, vector<1x16xf32>,
        %swap3A_206 = vector.shape_cast %swap3A_205 : vector<1x16xf32> to vector<16xf32>
        %swap3A_207 = vector.shape_cast %add3A_202 : vector<16xf32> to vector<1x16xf32>
        tpu.vector_store %arg10[%swap3A_203, %swap3A_204], %swap3A_207 {strides = array<i32>} : memref<80x96xf32, #tpu.memory_space<vmem>>, vector<1x16xf32>,
        %scan3A_208 = arith.constant 0 : i32
        scf.yield %scan3A_208 : i32
      }
      %scan3A_84 = arith.constant 80 : i32
      "tpu.region"() ({
        %run_scoped3A = tpu.sem_alloc : memref<!tpu.dma_semaphore, #tpu.memory_space<semaphore_mem>>
        %dma_start3A_86 = arith.constant 0 : i32
        %dma_start3A_87 = arith.constant 0 : i32
        %dma_start3A_88 = tpu.memref_slice %arg13[%dma_start3A_86, %dma_start3A_87] : memref<10000x96xf32, #tpu.memory_space<vmem_shared>> -> memref<10000x96xf32, #tpu.memory_space<vmem_shared>>
        tpu.enqueue_indirect_dma source(%arg10 : memref<80x96xf32, #tpu.memory_space<vmem>>) target(%dma_start3A_88 : memref<10000x96xf32, #tpu.memory_space<vmem_shared>>) offsets(%arg8 : memref<80xi32, #tpu.memory_space<vmem>>) semaphore(%run_scoped3A : memref<!tpu.dma_semaphore, #tpu.memory_space<semaphore_mem>>) {add = true}
        %dma_wait3A_89 = arith.constant 0 : i32
        %dma_wait3A_90 = arith.constant 0 : i32
        %dma_wait3A_91 = tpu.memref_slice %arg13[%dma_wait3A_89, %dma_wait3A_90] : memref<10000x96xf32, #tpu.memory_space<vmem_shared>> -> memref<10000x96xf32, #tpu.memory_space<vmem_shared>>
        tpu.wait_indirect_dma semaphore(%run_scoped3A : memref<!tpu.dma_semaphore, #tpu.memory_space<semaphore_mem>>) src(%arg10 : memref<80x96xf32, #tpu.memory_space<vmem>>) dst(%dma_wait3A_91 : memref<10000x96xf32, #tpu.memory_space<vmem_shared>>)
        tpu.yield
      }) : () -> ()
      %scan3A_85 = arith.constant 0 : i32
      scf.yield %scan3A_85 : i32
    }
    %scan3A_31 = arith.constant 125 : i32
    %barrier3A_32 = arith.constant 0 : index
    tpu.barrier barrier_id(%barrier3A_32)
    %add3A_33 = arith.constant 0 : i32
    %add3A_34 = arith.addi %arg0, %add3A_33 : i32
    "tpu.region"() ({
      %run_scoped3A = tpu.sem_alloc : memref<!tpu.dma_semaphore, #tpu.memory_space<semaphore_mem>>
      %dma_start3A = arith.constant 0 : i32
      %dma_start3A_62 = tpu.memref_slice %arg6[%add3A_34, %mul3A_7, %dma_start3A] : memref<4x10000x96xf32, #tpu.memory_space<hbm>> -> memref<1x625x96xf32, #tpu.memory_space<hbm>>
      %dma_start3A_63 = tpu.memref_squeeze %dma_start3A_62 : memref<1x625x96xf32, #tpu.memory_space<hbm>> -> memref<625x96xf32, #tpu.memory_space<hbm>>
      %dma_start3A_64 = arith.constant 0 : i32
      %dma_start3A_65 = tpu.memref_slice %arg13[%mul3A_7, %dma_start3A_64] : memref<10000x96xf32, #tpu.memory_space<vmem_shared>> -> memref<625x96xf32, #tpu.memory_space<vmem_shared>>
      tpu.enqueue_dma source(%dma_start3A_65 : memref<625x96xf32, #tpu.memory_space<vmem_shared>>) target(%dma_start3A_63 : memref<625x96xf32, #tpu.memory_space<hbm>>) target_semaphore(%run_scoped3A : memref<!tpu.dma_semaphore, #tpu.memory_space<semaphore_mem>>)
      %dma_wait3A = arith.constant 0 : i32
      %dma_wait3A_66 = tpu.memref_slice %arg6[%add3A_34, %mul3A_7, %dma_wait3A] : memref<4x10000x96xf32, #tpu.memory_space<hbm>> -> memref<1x625x96xf32, #tpu.memory_space<hbm>>
      %dma_wait3A_67 = tpu.memref_squeeze %dma_wait3A_66 : memref<1x625x96xf32, #tpu.memory_space<hbm>> -> memref<625x96xf32, #tpu.memory_space<hbm>>
      %dma_wait3A_68 = arith.constant 0 : i32
      %dma_wait3A_69 = tpu.memref_slice %arg13[%mul3A_7, %dma_wait3A_68] : memref<10000x96xf32, #tpu.memory_space<vmem_shared>> -> memref<625x96xf32, #tpu.memory_space<vmem_shared>>
      tpu.wait_dma2 semaphore(%run_scoped3A : memref<!tpu.dma_semaphore, #tpu.memory_space<semaphore_mem>>) src(%dma_wait3A_69 : memref<625x96xf32, #tpu.memory_space<vmem_shared>>) dst(%dma_wait3A_67 : memref<625x96xf32, #tpu.memory_space<hbm>>)
      tpu.yield
    }) : () -> ()
    %add3A_35 = arith.constant 0 : i32
    %add3A_36 = arith.addi %mul3A_7, %add3A_35 : i32
    "tpu.region"() ({
      %run_scoped3A = tpu.sem_alloc : memref<!tpu.dma_semaphore, #tpu.memory_space<semaphore_mem>>
      %dma_start3A = arith.constant 0 : i32
      %dma_start3A_62 = tpu.memref_slice %arg13[%add3A_36, %dma_start3A] : memref<10000x96xf32, #tpu.memory_space<vmem_shared>> -> memref<80x96xf32, #tpu.memory_space<vmem_shared>>
      %dma_start3A_63 = arith.constant 0 : i32
      %dma_start3A_64 = tpu.memref_slice %arg13[%add3A_36, %dma_start3A_63] : memref<10000x96xf32, #tpu.memory_space<vmem_shared>> -> memref<80x96xf32, #tpu.memory_space<vmem_shared>>
      tpu.enqueue_dma source(%arg11 : memref<80x96xf32, #tpu.memory_space<vmem>>) target(%dma_start3A_64 : memref<80x96xf32, #tpu.memory_space<vmem_shared>>) target_semaphore(%run_scoped3A : memref<!tpu.dma_semaphore, #tpu.memory_space<semaphore_mem>>)
      %dma_wait3A = arith.constant 0 : i32
      %dma_wait3A_65 = tpu.memref_slice %arg13[%add3A_36, %dma_wait3A] : memref<10000x96xf32, #tpu.memory_space<vmem_shared>> -> memref<80x96xf32, #tpu.memory_space<vmem_shared>>
      %dma_wait3A_66 = arith.constant 0 : i32
      %dma_wait3A_67 = tpu.memref_slice %arg13[%add3A_36, %dma_wait3A_66] : memref<10000x96xf32, #tpu.memory_space<vmem_shared>> -> memref<80x96xf32, #tpu.memory_space<vmem_shared>>
      tpu.wait_dma2 semaphore(%run_scoped3A : memref<!tpu.dma_semaphore, #tpu.memory_space<semaphore_mem>>) src(%arg11 : memref<80x96xf32, #tpu.memory_space<vmem>>) dst(%dma_wait3A_67 : memref<80x96xf32, #tpu.memory_space<vmem_shared>>)
      tpu.yield
    }) : () -> ()
    %add3A_37 = arith.constant 80 : i32
    %add3A_38 = arith.addi %mul3A_7, %add3A_37 : i32
    "tpu.region"() ({
      %run_scoped3A = tpu.sem_alloc : memref<!tpu.dma_semaphore, #tpu.memory_space<semaphore_mem>>
      %dma_start3A = arith.constant 0 : i32
      %dma_start3A_62 = tpu.memref_slice %arg13[%add3A_38, %dma_start3A] : memref<10000x96xf32, #tpu.memory_space<vmem_shared>> -> memref<80x96xf32, #tpu.memory_space<vmem_shared>>
      %dma_start3A_63 = arith.constant 0 : i32
      %dma_start3A_64 = tpu.memref_slice %arg13[%add3A_38, %dma_start3A_63] : memref<10000x96xf32, #tpu.memory_space<vmem_shared>> -> memref<80x96xf32, #tpu.memory_space<vmem_shared>>
      tpu.enqueue_dma source(%arg11 : memref<80x96xf32, #tpu.memory_space<vmem>>) target(%dma_start3A_64 : memref<80x96xf32, #tpu.memory_space<vmem_shared>>) target_semaphore(%run_scoped3A : memref<!tpu.dma_semaphore, #tpu.memory_space<semaphore_mem>>)
      %dma_wait3A = arith.constant 0 : i32
      %dma_wait3A_65 = tpu.memref_slice %arg13[%add3A_38, %dma_wait3A] : memref<10000x96xf32, #tpu.memory_space<vmem_shared>> -> memref<80x96xf32, #tpu.memory_space<vmem_shared>>
      %dma_wait3A_66 = arith.constant 0 : i32
      %dma_wait3A_67 = tpu.memref_slice %arg13[%add3A_38, %dma_wait3A_66] : memref<10000x96xf32, #tpu.memory_space<vmem_shared>> -> memref<80x96xf32, #tpu.memory_space<vmem_shared>>
      tpu.wait_dma2 semaphore(%run_scoped3A : memref<!tpu.dma_semaphore, #tpu.memory_space<semaphore_mem>>) src(%arg11 : memref<80x96xf32, #tpu.memory_space<vmem>>) dst(%dma_wait3A_67 : memref<80x96xf32, #tpu.memory_space<vmem_shared>>)
      tpu.yield
    }) : () -> ()
    %add3A_39 = arith.constant 160 : i32
    %add3A_40 = arith.addi %mul3A_7, %add3A_39 : i32
    "tpu.region"() ({
      %run_scoped3A = tpu.sem_alloc : memref<!tpu.dma_semaphore, #tpu.memory_space<semaphore_mem>>
      %dma_start3A = arith.constant 0 : i32
      %dma_start3A_62 = tpu.memref_slice %arg13[%add3A_40, %dma_start3A] : memref<10000x96xf32, #tpu.memory_space<vmem_shared>> -> memref<80x96xf32, #tpu.memory_space<vmem_shared>>
      %dma_start3A_63 = arith.constant 0 : i32
      %dma_start3A_64 = tpu.memref_slice %arg13[%add3A_40, %dma_start3A_63] : memref<10000x96xf32, #tpu.memory_space<vmem_shared>> -> memref<80x96xf32, #tpu.memory_space<vmem_shared>>
      tpu.enqueue_dma source(%arg11 : memref<80x96xf32, #tpu.memory_space<vmem>>) target(%dma_start3A_64 : memref<80x96xf32, #tpu.memory_space<vmem_shared>>) target_semaphore(%run_scoped3A : memref<!tpu.dma_semaphore, #tpu.memory_space<semaphore_mem>>)
      %dma_wait3A = arith.constant 0 : i32
      %dma_wait3A_65 = tpu.memref_slice %arg13[%add3A_40, %dma_wait3A] : memref<10000x96xf32, #tpu.memory_space<vmem_shared>> -> memref<80x96xf32, #tpu.memory_space<vmem_shared>>
      %dma_wait3A_66 = arith.constant 0 : i32
      %dma_wait3A_67 = tpu.memref_slice %arg13[%add3A_40, %dma_wait3A_66] : memref<10000x96xf32, #tpu.memory_space<vmem_shared>> -> memref<80x96xf32, #tpu.memory_space<vmem_shared>>
      tpu.wait_dma2 semaphore(%run_scoped3A : memref<!tpu.dma_semaphore, #tpu.memory_space<semaphore_mem>>) src(%arg11 : memref<80x96xf32, #tpu.memory_space<vmem>>) dst(%dma_wait3A_67 : memref<80x96xf32, #tpu.memory_space<vmem_shared>>)
      tpu.yield
    }) : () -> ()
    %add3A_41 = arith.constant 240 : i32
    %add3A_42 = arith.addi %mul3A_7, %add3A_41 : i32
    "tpu.region"() ({
      %run_scoped3A = tpu.sem_alloc : memref<!tpu.dma_semaphore, #tpu.memory_space<semaphore_mem>>
      %dma_start3A = arith.constant 0 : i32
      %dma_start3A_62 = tpu.memref_slice %arg13[%add3A_42, %dma_start3A] : memref<10000x96xf32, #tpu.memory_space<vmem_shared>> -> memref<80x96xf32, #tpu.memory_space<vmem_shared>>
      %dma_start3A_63 = arith.constant 0 : i32
      %dma_start3A_64 = tpu.memref_slice %arg13[%add3A_42, %dma_start3A_63] : memref<10000x96xf32, #tpu.memory_space<vmem_shared>> -> memref<80x96xf32, #tpu.memory_space<vmem_shared>>
      tpu.enqueue_dma source(%arg11 : memref<80x96xf32, #tpu.memory_space<vmem>>) target(%dma_start3A_64 : memref<80x96xf32, #tpu.memory_space<vmem_shared>>) target_semaphore(%run_scoped3A : memref<!tpu.dma_semaphore, #tpu.memory_space<semaphore_mem>>)
      %dma_wait3A = arith.constant 0 : i32
      %dma_wait3A_65 = tpu.memref_slice %arg13[%add3A_42, %dma_wait3A] : memref<10000x96xf32, #tpu.memory_space<vmem_shared>> -> memref<80x96xf32, #tpu.memory_space<vmem_shared>>
      %dma_wait3A_66 = arith.constant 0 : i32
      %dma_wait3A_67 = tpu.memref_slice %arg13[%add3A_42, %dma_wait3A_66] : memref<10000x96xf32, #tpu.memory_space<vmem_shared>> -> memref<80x96xf32, #tpu.memory_space<vmem_shared>>
      tpu.wait_dma2 semaphore(%run_scoped3A : memref<!tpu.dma_semaphore, #tpu.memory_space<semaphore_mem>>) src(%arg11 : memref<80x96xf32, #tpu.memory_space<vmem>>) dst(%dma_wait3A_67 : memref<80x96xf32, #tpu.memory_space<vmem_shared>>)
      tpu.yield
    }) : () -> ()
    %add3A_43 = arith.constant 320 : i32
    %add3A_44 = arith.addi %mul3A_7, %add3A_43 : i32
    "tpu.region"() ({
      %run_scoped3A = tpu.sem_alloc : memref<!tpu.dma_semaphore, #tpu.memory_space<semaphore_mem>>
      %dma_start3A = arith.constant 0 : i32
      %dma_start3A_62 = tpu.memref_slice %arg13[%add3A_44, %dma_start3A] : memref<10000x96xf32, #tpu.memory_space<vmem_shared>> -> memref<80x96xf32, #tpu.memory_space<vmem_shared>>
      %dma_start3A_63 = arith.constant 0 : i32
      %dma_start3A_64 = tpu.memref_slice %arg13[%add3A_44, %dma_start3A_63] : memref<10000x96xf32, #tpu.memory_space<vmem_shared>> -> memref<80x96xf32, #tpu.memory_space<vmem_shared>>
      tpu.enqueue_dma source(%arg11 : memref<80x96xf32, #tpu.memory_space<vmem>>) target(%dma_start3A_64 : memref<80x96xf32, #tpu.memory_space<vmem_shared>>) target_semaphore(%run_scoped3A : memref<!tpu.dma_semaphore, #tpu.memory_space<semaphore_mem>>)
      %dma_wait3A = arith.constant 0 : i32
      %dma_wait3A_65 = tpu.memref_slice %arg13[%add3A_44, %dma_wait3A] : memref<10000x96xf32, #tpu.memory_space<vmem_shared>> -> memref<80x96xf32, #tpu.memory_space<vmem_shared>>
      %dma_wait3A_66 = arith.constant 0 : i32
      %dma_wait3A_67 = tpu.memref_slice %arg13[%add3A_44, %dma_wait3A_66] : memref<10000x96xf32, #tpu.memory_space<vmem_shared>> -> memref<80x96xf32, #tpu.memory_space<vmem_shared>>
      tpu.wait_dma2 semaphore(%run_scoped3A : memref<!tpu.dma_semaphore, #tpu.memory_space<semaphore_mem>>) src(%arg11 : memref<80x96xf32, #tpu.memory_space<vmem>>) dst(%dma_wait3A_67 : memref<80x96xf32, #tpu.memory_space<vmem_shared>>)
      tpu.yield
    }) : () -> ()
    %add3A_45 = arith.constant 400 : i32
    %add3A_46 = arith.addi %mul3A_7, %add3A_45 : i32
    "tpu.region"() ({
      %run_scoped3A = tpu.sem_alloc : memref<!tpu.dma_semaphore, #tpu.memory_space<semaphore_mem>>
      %dma_start3A = arith.constant 0 : i32
      %dma_start3A_62 = tpu.memref_slice %arg13[%add3A_46, %dma_start3A] : memref<10000x96xf32, #tpu.memory_space<vmem_shared>> -> memref<80x96xf32, #tpu.memory_space<vmem_shared>>
      %dma_start3A_63 = arith.constant 0 : i32
      %dma_start3A_64 = tpu.memref_slice %arg13[%add3A_46, %dma_start3A_63] : memref<10000x96xf32, #tpu.memory_space<vmem_shared>> -> memref<80x96xf32, #tpu.memory_space<vmem_shared>>
      tpu.enqueue_dma source(%arg11 : memref<80x96xf32, #tpu.memory_space<vmem>>) target(%dma_start3A_64 : memref<80x96xf32, #tpu.memory_space<vmem_shared>>) target_semaphore(%run_scoped3A : memref<!tpu.dma_semaphore, #tpu.memory_space<semaphore_mem>>)
      %dma_wait3A = arith.constant 0 : i32
      %dma_wait3A_65 = tpu.memref_slice %arg13[%add3A_46, %dma_wait3A] : memref<10000x96xf32, #tpu.memory_space<vmem_shared>> -> memref<80x96xf32, #tpu.memory_space<vmem_shared>>
      %dma_wait3A_66 = arith.constant 0 : i32
      %dma_wait3A_67 = tpu.memref_slice %arg13[%add3A_46, %dma_wait3A_66] : memref<10000x96xf32, #tpu.memory_space<vmem_shared>> -> memref<80x96xf32, #tpu.memory_space<vmem_shared>>
      tpu.wait_dma2 semaphore(%run_scoped3A : memref<!tpu.dma_semaphore, #tpu.memory_space<semaphore_mem>>) src(%arg11 : memref<80x96xf32, #tpu.memory_space<vmem>>) dst(%dma_wait3A_67 : memref<80x96xf32, #tpu.memory_space<vmem_shared>>)
      tpu.yield
    }) : () -> ()
    %add3A_47 = arith.constant 480 : i32
    %add3A_48 = arith.addi %mul3A_7, %add3A_47 : i32
    "tpu.region"() ({
      %run_scoped3A = tpu.sem_alloc : memref<!tpu.dma_semaphore, #tpu.memory_space<semaphore_mem>>
      %dma_start3A = arith.constant 0 : i32
      %dma_start3A_62 = tpu.memref_slice %arg13[%add3A_48, %dma_start3A] : memref<10000x96xf32, #tpu.memory_space<vmem_shared>> -> memref<80x96xf32, #tpu.memory_space<vmem_shared>>
      %dma_start3A_63 = arith.constant 0 : i32
      %dma_start3A_64 = tpu.memref_slice %arg13[%add3A_48, %dma_start3A_63] : memref<10000x96xf32, #tpu.memory_space<vmem_shared>> -> memref<80x96xf32, #tpu.memory_space<vmem_shared>>
      tpu.enqueue_dma source(%arg11 : memref<80x96xf32, #tpu.memory_space<vmem>>) target(%dma_start3A_64 : memref<80x96xf32, #tpu.memory_space<vmem_shared>>) target_semaphore(%run_scoped3A : memref<!tpu.dma_semaphore, #tpu.memory_space<semaphore_mem>>)
      %dma_wait3A = arith.constant 0 : i32
      %dma_wait3A_65 = tpu.memref_slice %arg13[%add3A_48, %dma_wait3A] : memref<10000x96xf32, #tpu.memory_space<vmem_shared>> -> memref<80x96xf32, #tpu.memory_space<vmem_shared>>
      %dma_wait3A_66 = arith.constant 0 : i32
      %dma_wait3A_67 = tpu.memref_slice %arg13[%add3A_48, %dma_wait3A_66] : memref<10000x96xf32, #tpu.memory_space<vmem_shared>> -> memref<80x96xf32, #tpu.memory_space<vmem_shared>>
      tpu.wait_dma2 semaphore(%run_scoped3A : memref<!tpu.dma_semaphore, #tpu.memory_space<semaphore_mem>>) src(%arg11 : memref<80x96xf32, #tpu.memory_space<vmem>>) dst(%dma_wait3A_67 : memref<80x96xf32, #tpu.memory_space<vmem_shared>>)
      tpu.yield
    }) : () -> ()
    %add3A_49 = arith.constant 560 : i32
    %add3A_50 = arith.addi %mul3A_7, %add3A_49 : i32
    "tpu.region"() ({
      %run_scoped3A = tpu.sem_alloc : memref<!tpu.dma_semaphore, #tpu.memory_space<semaphore_mem>>
      %dma_start3A = arith.constant 0 : i32
      %dma_start3A_62 = arith.constant 0 : i32
      %dma_start3A_63 = tpu.memref_slice %arg11[%dma_start3A, %dma_start3A_62] : memref<80x96xf32, #tpu.memory_space<vmem>> -> memref<65x96xf32, #tpu.memory_space<vmem>>
      %dma_start3A_64 = arith.constant 0 : i32
      %dma_start3A_65 = tpu.memref_slice %arg13[%add3A_50, %dma_start3A_64] : memref<10000x96xf32, #tpu.memory_space<vmem_shared>> -> memref<65x96xf32, #tpu.memory_space<vmem_shared>>
      %dma_start3A_66 = arith.constant 0 : i32
      %dma_start3A_67 = tpu.memref_slice %arg13[%add3A_50, %dma_start3A_66] : memref<10000x96xf32, #tpu.memory_space<vmem_shared>> -> memref<65x96xf32, #tpu.memory_space<vmem_shared>>
      %dma_start3A_68 = arith.constant 0 : i32
      %dma_start3A_69 = arith.constant 0 : i32
      %dma_start3A_70 = tpu.memref_slice %arg11[%dma_start3A_68, %dma_start3A_69] : memref<80x96xf32, #tpu.memory_space<vmem>> -> memref<65x96xf32, #tpu.memory_space<vmem>>
      tpu.enqueue_dma source(%dma_start3A_70 : memref<65x96xf32, #tpu.memory_space<vmem>>) target(%dma_start3A_67 : memref<65x96xf32, #tpu.memory_space<vmem_shared>>) target_semaphore(%run_scoped3A : memref<!tpu.dma_semaphore, #tpu.memory_space<semaphore_mem>>)
      %dma_wait3A = arith.constant 0 : i32
      %dma_wait3A_71 = arith.constant 0 : i32
      %dma_wait3A_72 = tpu.memref_slice %arg11[%dma_wait3A, %dma_wait3A_71] : memref<80x96xf32, #tpu.memory_space<vmem>> -> memref<65x96xf32, #tpu.memory_space<vmem>>
      %dma_wait3A_73 = arith.constant 0 : i32
      %dma_wait3A_74 = tpu.memref_slice %arg13[%add3A_50, %dma_wait3A_73] : memref<10000x96xf32, #tpu.memory_space<vmem_shared>> -> memref<65x96xf32, #tpu.memory_space<vmem_shared>>
      %dma_wait3A_75 = arith.constant 0 : i32
      %dma_wait3A_76 = tpu.memref_slice %arg13[%add3A_50, %dma_wait3A_75] : memref<10000x96xf32, #tpu.memory_space<vmem_shared>> -> memref<65x96xf32, #tpu.memory_space<vmem_shared>>
      %dma_wait3A_77 = arith.constant 0 : i32
      %dma_wait3A_78 = arith.constant 0 : i32
      %dma_wait3A_79 = tpu.memref_slice %arg11[%dma_wait3A_77, %dma_wait3A_78] : memref<80x96xf32, #tpu.memory_space<vmem>> -> memref<65x96xf32, #tpu.memory_space<vmem>>
      tpu.wait_dma2 semaphore(%run_scoped3A : memref<!tpu.dma_semaphore, #tpu.memory_space<semaphore_mem>>) src(%dma_wait3A_79 : memref<65x96xf32, #tpu.memory_space<vmem>>) dst(%dma_wait3A_76 : memref<65x96xf32, #tpu.memory_space<vmem_shared>>)
      tpu.yield
    }) : () -> ()
    %barrier3A_51 = arith.constant 0 : index
    tpu.barrier barrier_id(%barrier3A_51)
    %scan3A_52 = arith.constant 0 : i32
    %scan3A_53 = arith.constant 0 : i32
    %scan3A_54 = arith.constant 125 : i32
    %scan3A_55 = arith.addi %scan3A_53, %scan3A_54 : i32
    %scan3A_56 = arith.constant 1 : i32
    %scan3A_57 = scf.for %scan3A_62 = %scan3A_53 to %scan3A_55 step %scan3A_56 iter_args(%scan3A_63 = %scan3A_52) -> (i32)  : i32 {
      %mul3A_64 = arith.constant 80 : i32
      %mul3A_65 = arith.muli %scan3A_62, %mul3A_64 : i32
      %add3A_66 = arith.addi %mul3A_9, %mul3A_65 : i32
      "tpu.region"() ({
        %run_scoped3A = tpu.sem_alloc : memref<!tpu.dma_semaphore, #tpu.memory_space<semaphore_mem>>
        %dma_start3A_86 = tpu.memref_slice %arg3[%add3A_66] : memref<160000xi32, #tpu.memory_space<hbm>> -> memref<80xi32, #tpu.memory_space<hbm>>
        %dma_start3A_87 = tpu.memref_slice %arg3[%add3A_66] : memref<160000xi32, #tpu.memory_space<hbm>> -> memref<80xi32, #tpu.memory_space<hbm>>
        tpu.enqueue_dma source(%dma_start3A_87 : memref<80xi32, #tpu.memory_space<hbm>>) target(%arg7 : memref<80xi32, #tpu.memory_space<vmem>>) target_semaphore(%run_scoped3A : memref<!tpu.dma_semaphore, #tpu.memory_space<semaphore_mem>>)
        %dma_wait3A_88 = tpu.memref_slice %arg3[%add3A_66] : memref<160000xi32, #tpu.memory_space<hbm>> -> memref<80xi32, #tpu.memory_space<hbm>>
        %dma_wait3A_89 = tpu.memref_slice %arg3[%add3A_66] : memref<160000xi32, #tpu.memory_space<hbm>> -> memref<80xi32, #tpu.memory_space<hbm>>
        tpu.wait_dma2 semaphore(%run_scoped3A : memref<!tpu.dma_semaphore, #tpu.memory_space<semaphore_mem>>) src(%dma_wait3A_89 : memref<80xi32, #tpu.memory_space<hbm>>) dst(%arg7 : memref<80xi32, #tpu.memory_space<vmem>>)
        tpu.yield
      }) : () -> ()
      %scan3A_67 = arith.constant 0 : i32
      %scan3A_68 = arith.constant 0 : i32
      %scan3A_69 = arith.constant 5 : i32
      %scan3A_70 = arith.addi %scan3A_68, %scan3A_69 : i32
      %scan3A_71 = arith.constant 1 : i32
      %scan3A_72 = scf.for %scan3A_86 = %scan3A_68 to %scan3A_70 step %scan3A_71 iter_args(%scan3A_87 = %scan3A_67) -> (i32)  : i32 {
        %mul3A_88 = arith.constant 16 : i32
        %mul3A_89 = arith.muli %scan3A_86, %mul3A_88 : i32
        %get3A = arith.index_cast %mul3A_89 : i32 to index
        %get3A_90 = tpu.vector_load %arg7[%get3A] {strides = array<i32>} : memref<80xi32, #tpu.memory_space<vmem>>, vector<16xi32>,
        %get3A_91 = vector.shape_cast %get3A_90 : vector<16xi32> to vector<16xi32>
        %mul3A_92 = arith.constant 4 : i32
        %mul3A_93 = vector.broadcast %mul3A_92 : i32 to vector<16xi32>
        %mul3A_94 = arith.muli %get3A_91, %mul3A_93 : vector<16xi32>
        %add3A_95 = arith.constant 2 : i32
        %add3A_96 = arith.addi %arg0, %add3A_95 : i32
        %add3A_97 = vector.broadcast %add3A_96 : i32 to vector<16xi32>
        %add3A_98 = arith.addi %mul3A_94, %add3A_97 : vector<16xi32>
        %mul3A_99 = arith.constant 16 : i32
        %mul3A_100 = arith.muli %scan3A_86, %mul3A_99 : i32
        %swap3A = arith.index_cast %mul3A_100 : i32 to index
        %swap3A_101 = tpu.vector_load %arg7[%swap3A] {strides = array<i32>} : memref<80xi32, #tpu.memory_space<vmem>>, vector<16xi32>,
        %swap3A_102 = vector.shape_cast %swap3A_101 : vector<16xi32> to vector<16xi32>
        %swap3A_103 = vector.shape_cast %add3A_98 : vector<16xi32> to vector<16xi32>
        tpu.vector_store %arg7[%swap3A], %swap3A_103 {strides = array<i32>} : memref<80xi32, #tpu.memory_space<vmem>>, vector<16xi32>,
        %scan3A_104 = arith.constant 0 : i32
        scf.yield %scan3A_104 : i32
      }
      %scan3A_73 = arith.constant 5 : i32
      "tpu.region"() ({
        %run_scoped3A = tpu.sem_alloc : memref<!tpu.dma_semaphore, #tpu.memory_space<semaphore_mem>>
        %dma_start3A_86 = tpu.memref_slice %arg4[%add3A_66] : memref<160000xi32, #tpu.memory_space<hbm>> -> memref<80xi32, #tpu.memory_space<hbm>>
        %dma_start3A_87 = tpu.memref_slice %arg4[%add3A_66] : memref<160000xi32, #tpu.memory_space<hbm>> -> memref<80xi32, #tpu.memory_space<hbm>>
        tpu.enqueue_dma source(%dma_start3A_87 : memref<80xi32, #tpu.memory_space<hbm>>) target(%arg8 : memref<80xi32, #tpu.memory_space<vmem>>) target_semaphore(%run_scoped3A : memref<!tpu.dma_semaphore, #tpu.memory_space<semaphore_mem>>)
        %dma_wait3A_88 = tpu.memref_slice %arg4[%add3A_66] : memref<160000xi32, #tpu.memory_space<hbm>> -> memref<80xi32, #tpu.memory_space<hbm>>
        %dma_wait3A_89 = tpu.memref_slice %arg4[%add3A_66] : memref<160000xi32, #tpu.memory_space<hbm>> -> memref<80xi32, #tpu.memory_space<hbm>>
        tpu.wait_dma2 semaphore(%run_scoped3A : memref<!tpu.dma_semaphore, #tpu.memory_space<semaphore_mem>>) src(%dma_wait3A_89 : memref<80xi32, #tpu.memory_space<hbm>>) dst(%arg8 : memref<80xi32, #tpu.memory_space<vmem>>)
        tpu.yield
      }) : () -> ()
      "tpu.region"() ({
        %run_scoped3A = tpu.sem_alloc : memref<!tpu.dma_semaphore, #tpu.memory_space<semaphore_mem>>
        %dma_start3A_86 = arith.constant 0 : i32
        %dma_start3A_87 = tpu.memref_slice %arg5[%add3A_66, %dma_start3A_86] : memref<160000x16xf32, #tpu.memory_space<hbm>> -> memref<80x16xf32, #tpu.memory_space<hbm>>
        %dma_start3A_88 = arith.constant 0 : i32
        %dma_start3A_89 = tpu.memref_slice %arg5[%add3A_66, %dma_start3A_88] : memref<160000x16xf32, #tpu.memory_space<hbm>> -> memref<80x16xf32, #tpu.memory_space<hbm>>
        tpu.enqueue_dma source(%dma_start3A_89 : memref<80x16xf32, #tpu.memory_space<hbm>>) target(%arg9 : memref<80x16xf32, #tpu.memory_space<vmem>>) target_semaphore(%run_scoped3A : memref<!tpu.dma_semaphore, #tpu.memory_space<semaphore_mem>>)
        %dma_wait3A_90 = arith.constant 0 : i32
        %dma_wait3A_91 = tpu.memref_slice %arg5[%add3A_66, %dma_wait3A_90] : memref<160000x16xf32, #tpu.memory_space<hbm>> -> memref<80x16xf32, #tpu.memory_space<hbm>>
        %dma_wait3A_92 = arith.constant 0 : i32
        %dma_wait3A_93 = tpu.memref_slice %arg5[%add3A_66, %dma_wait3A_92] : memref<160000x16xf32, #tpu.memory_space<hbm>> -> memref<80x16xf32, #tpu.memory_space<hbm>>
        tpu.wait_dma2 semaphore(%run_scoped3A : memref<!tpu.dma_semaphore, #tpu.memory_space<semaphore_mem>>) src(%dma_wait3A_93 : memref<80x16xf32, #tpu.memory_space<hbm>>) dst(%arg9 : memref<80x16xf32, #tpu.memory_space<vmem>>)
        tpu.yield
      }) : () -> ()
      %dma_start3A = arith.constant 0 : i32
      %dma_start3A_74 = arith.constant 0 : i32
      %dma_start3A_75 = tpu.memref_slice %arg2[%dma_start3A, %dma_start3A_74] : memref<40000x96xf32, #tpu.memory_space<hbm>> -> memref<40000x96xf32, #tpu.memory_space<hbm>>
      tpu.enqueue_indirect_dma source(%dma_start3A_75 : memref<40000x96xf32, #tpu.memory_space<hbm>>) target(%arg10 : memref<80x96xf32, #tpu.memory_space<vmem>>) offsets(%arg7 : memref<80xi32, #tpu.memory_space<vmem>>) semaphore(%arg12 : memref<!tpu.dma_semaphore, #tpu.memory_space<semaphore_mem>>)
      %dma_wait3A = arith.constant 0 : i32
      %dma_wait3A_76 = arith.constant 0 : i32
      %dma_wait3A_77 = tpu.memref_slice %arg2[%dma_wait3A, %dma_wait3A_76] : memref<40000x96xf32, #tpu.memory_space<hbm>> -> memref<40000x96xf32, #tpu.memory_space<hbm>>
      tpu.wait_indirect_dma semaphore(%arg12 : memref<!tpu.dma_semaphore, #tpu.memory_space<semaphore_mem>>) src(%dma_wait3A_77 : memref<40000x96xf32, #tpu.memory_space<hbm>>) dst(%arg10 : memref<80x96xf32, #tpu.memory_space<vmem>>)
      %scan3A_78 = arith.constant 0 : i32
      %scan3A_79 = arith.constant 0 : i32
      %scan3A_80 = arith.constant 80 : i32
      %scan3A_81 = arith.addi %scan3A_79, %scan3A_80 : i32
      %scan3A_82 = arith.constant 1 : i32
      %scan3A_83 = scf.for %scan3A_86 = %scan3A_79 to %scan3A_81 step %scan3A_82 iter_args(%scan3A_87 = %scan3A_78) -> (i32)  : i32 {
        %get3A = arith.index_cast %scan3A_86 : i32 to index
        %get3A_88 = arith.constant 0 : index
        %get3A_89 = tpu.vector_load %arg9[%get3A, %get3A_88] {strides = array<i32>} : memref<80x16xf32, #tpu.memory_space<vmem>>, vector<1x16xf32>,
        %get3A_90 = vector.shape_cast %get3A_89 : vector<1x16xf32> to vector<16xf32>
        %slice3A = vector.extract_strided_slice %get3A_90 {offsets = [0], sizes = [1], strides = [1]} : vector<16xf32> to vector<1xf32>
        %squeeze3A = vector.extract %slice3A[0] : f32 from vector<1xf32>
        %slice3A_91 = vector.extract_strided_slice %get3A_90 {offsets = [1], sizes = [1], strides = [1]} : vector<16xf32> to vector<1xf32>
        %squeeze3A_92 = vector.extract %slice3A_91[0] : f32 from vector<1xf32>
        %slice3A_93 = vector.extract_strided_slice %get3A_90 {offsets = [2], sizes = [1], strides = [1]} : vector<16xf32> to vector<1xf32>
        %squeeze3A_94 = vector.extract %slice3A_93[0] : f32 from vector<1xf32>
        %slice3A_95 = vector.extract_strided_slice %get3A_90 {offsets = [3], sizes = [1], strides = [1]} : vector<16xf32> to vector<1xf32>
        %squeeze3A_96 = vector.extract %slice3A_95[0] : f32 from vector<1xf32>
        %slice3A_97 = vector.extract_strided_slice %get3A_90 {offsets = [4], sizes = [1], strides = [1]} : vector<16xf32> to vector<1xf32>
        %squeeze3A_98 = vector.extract %slice3A_97[0] : f32 from vector<1xf32>
        %slice3A_99 = vector.extract_strided_slice %get3A_90 {offsets = [5], sizes = [1], strides = [1]} : vector<16xf32> to vector<1xf32>
        %squeeze3A_100 = vector.extract %slice3A_99[0] : f32 from vector<1xf32>
        %slice3A_101 = vector.extract_strided_slice %get3A_90 {offsets = [6], sizes = [1], strides = [1]} : vector<16xf32> to vector<1xf32>
        %squeeze3A_102 = vector.extract %slice3A_101[0] : f32 from vector<1xf32>
        %slice3A_103 = vector.extract_strided_slice %get3A_90 {offsets = [7], sizes = [1], strides = [1]} : vector<16xf32> to vector<1xf32>
        %squeeze3A_104 = vector.extract %slice3A_103[0] : f32 from vector<1xf32>
        %slice3A_105 = vector.extract_strided_slice %get3A_90 {offsets = [8], sizes = [1], strides = [1]} : vector<16xf32> to vector<1xf32>
        %squeeze3A_106 = vector.extract %slice3A_105[0] : f32 from vector<1xf32>
        %get3A_107 = arith.index_cast %scan3A_86 : i32 to index
        %get3A_108 = arith.constant 0 : index
        %get3A_109 = tpu.vector_load %arg10[%get3A_107, %get3A_108] {strides = array<i32>} : memref<80x96xf32, #tpu.memory_space<vmem>>, vector<1x16xf32>,
        %get3A_110 = vector.shape_cast %get3A_109 : vector<1x16xf32> to vector<16xf32>
        %get3A_111 = arith.index_cast %scan3A_86 : i32 to index
        %get3A_112 = arith.constant 16 : index
        %get3A_113 = tpu.vector_load %arg10[%get3A_111, %get3A_112] {strides = array<i32>} : memref<80x96xf32, #tpu.memory_space<vmem>>, vector<1x16xf32>,
        %get3A_114 = vector.shape_cast %get3A_113 : vector<1x16xf32> to vector<16xf32>
        %get3A_115 = arith.index_cast %scan3A_86 : i32 to index
        %get3A_116 = arith.constant 32 : index
        %get3A_117 = tpu.vector_load %arg10[%get3A_115, %get3A_116] {strides = array<i32>} : memref<80x96xf32, #tpu.memory_space<vmem>>, vector<1x16xf32>,
        %get3A_118 = vector.shape_cast %get3A_117 : vector<1x16xf32> to vector<16xf32>
        %get3A_119 = arith.index_cast %scan3A_86 : i32 to index
        %get3A_120 = arith.constant 48 : index
        %get3A_121 = tpu.vector_load %arg10[%get3A_119, %get3A_120] {strides = array<i32>} : memref<80x96xf32, #tpu.memory_space<vmem>>, vector<1x16xf32>,
        %get3A_122 = vector.shape_cast %get3A_121 : vector<1x16xf32> to vector<16xf32>
        %get3A_123 = arith.index_cast %scan3A_86 : i32 to index
        %get3A_124 = arith.constant 64 : index
        %get3A_125 = tpu.vector_load %arg10[%get3A_123, %get3A_124] {strides = array<i32>} : memref<80x96xf32, #tpu.memory_space<vmem>>, vector<1x16xf32>,
        %get3A_126 = vector.shape_cast %get3A_125 : vector<1x16xf32> to vector<16xf32>
        %get3A_127 = arith.index_cast %scan3A_86 : i32 to index
        %get3A_128 = arith.constant 80 : index
        %get3A_129 = tpu.vector_load %arg10[%get3A_127, %get3A_128] {strides = array<i32>} : memref<80x96xf32, #tpu.memory_space<vmem>>, vector<1x16xf32>,
        %get3A_130 = vector.shape_cast %get3A_129 : vector<1x16xf32> to vector<16xf32>
        %mul3A_131 = vector.broadcast %squeeze3A : f32 to vector<16xf32>
        %mul3A_132 = arith.mulf %mul3A_131, %get3A_110 : vector<16xf32>
        %mul3A_133 = vector.broadcast %squeeze3A_92 : f32 to vector<16xf32>
        %mul3A_134 = arith.mulf %mul3A_133, %get3A_118 : vector<16xf32>
        %add3A_135 = arith.addf %mul3A_132, %mul3A_134 : vector<16xf32>
        %mul3A_136 = vector.broadcast %squeeze3A_94 : f32 to vector<16xf32>
        %mul3A_137 = arith.mulf %mul3A_136, %get3A_126 : vector<16xf32>
        %add3A_138 = arith.addf %add3A_135, %mul3A_137 : vector<16xf32>
        %swap3A = arith.index_cast %scan3A_86 : i32 to index
        %swap3A_139 = arith.constant 0 : index
        %swap3A_140 = tpu.vector_load %arg10[%swap3A, %swap3A_139] {strides = array<i32>} : memref<80x96xf32, #tpu.memory_space<vmem>>, vector<1x16xf32>,
        %swap3A_141 = vector.shape_cast %swap3A_140 : vector<1x16xf32> to vector<16xf32>
        %swap3A_142 = vector.shape_cast %add3A_138 : vector<16xf32> to vector<1x16xf32>
        tpu.vector_store %arg10[%swap3A, %swap3A_139], %swap3A_142 {strides = array<i32>} : memref<80x96xf32, #tpu.memory_space<vmem>>, vector<1x16xf32>,
        %mul3A_143 = vector.broadcast %squeeze3A : f32 to vector<16xf32>
        %mul3A_144 = arith.mulf %mul3A_143, %get3A_114 : vector<16xf32>
        %mul3A_145 = vector.broadcast %squeeze3A_92 : f32 to vector<16xf32>
        %mul3A_146 = arith.mulf %mul3A_145, %get3A_122 : vector<16xf32>
        %add3A_147 = arith.addf %mul3A_144, %mul3A_146 : vector<16xf32>
        %mul3A_148 = vector.broadcast %squeeze3A_94 : f32 to vector<16xf32>
        %mul3A_149 = arith.mulf %mul3A_148, %get3A_130 : vector<16xf32>
        %add3A_150 = arith.addf %add3A_147, %mul3A_149 : vector<16xf32>
        %swap3A_151 = arith.index_cast %scan3A_86 : i32 to index
        %swap3A_152 = arith.constant 16 : index
        %swap3A_153 = tpu.vector_load %arg10[%swap3A_151, %swap3A_152] {strides = array<i32>} : memref<80x96xf32, #tpu.memory_space<vmem>>, vector<1x16xf32>,
        %swap3A_154 = vector.shape_cast %swap3A_153 : vector<1x16xf32> to vector<16xf32>
        %swap3A_155 = vector.shape_cast %add3A_150 : vector<16xf32> to vector<1x16xf32>
        tpu.vector_store %arg10[%swap3A_151, %swap3A_152], %swap3A_155 {strides = array<i32>} : memref<80x96xf32, #tpu.memory_space<vmem>>, vector<1x16xf32>,
        %mul3A_156 = vector.broadcast %squeeze3A_96 : f32 to vector<16xf32>
        %mul3A_157 = arith.mulf %mul3A_156, %get3A_110 : vector<16xf32>
        %mul3A_158 = vector.broadcast %squeeze3A_98 : f32 to vector<16xf32>
        %mul3A_159 = arith.mulf %mul3A_158, %get3A_118 : vector<16xf32>
        %add3A_160 = arith.addf %mul3A_157, %mul3A_159 : vector<16xf32>
        %mul3A_161 = vector.broadcast %squeeze3A_100 : f32 to vector<16xf32>
        %mul3A_162 = arith.mulf %mul3A_161, %get3A_126 : vector<16xf32>
        %add3A_163 = arith.addf %add3A_160, %mul3A_162 : vector<16xf32>
        %swap3A_164 = arith.index_cast %scan3A_86 : i32 to index
        %swap3A_165 = arith.constant 32 : index
        %swap3A_166 = tpu.vector_load %arg10[%swap3A_164, %swap3A_165] {strides = array<i32>} : memref<80x96xf32, #tpu.memory_space<vmem>>, vector<1x16xf32>,
        %swap3A_167 = vector.shape_cast %swap3A_166 : vector<1x16xf32> to vector<16xf32>
        %swap3A_168 = vector.shape_cast %add3A_163 : vector<16xf32> to vector<1x16xf32>
        tpu.vector_store %arg10[%swap3A_164, %swap3A_165], %swap3A_168 {strides = array<i32>} : memref<80x96xf32, #tpu.memory_space<vmem>>, vector<1x16xf32>,
        %mul3A_169 = vector.broadcast %squeeze3A_96 : f32 to vector<16xf32>
        %mul3A_170 = arith.mulf %mul3A_169, %get3A_114 : vector<16xf32>
        %mul3A_171 = vector.broadcast %squeeze3A_98 : f32 to vector<16xf32>
        %mul3A_172 = arith.mulf %mul3A_171, %get3A_122 : vector<16xf32>
        %add3A_173 = arith.addf %mul3A_170, %mul3A_172 : vector<16xf32>
        %mul3A_174 = vector.broadcast %squeeze3A_100 : f32 to vector<16xf32>
        %mul3A_175 = arith.mulf %mul3A_174, %get3A_130 : vector<16xf32>
        %add3A_176 = arith.addf %add3A_173, %mul3A_175 : vector<16xf32>
        %swap3A_177 = arith.index_cast %scan3A_86 : i32 to index
        %swap3A_178 = arith.constant 48 : index
        %swap3A_179 = tpu.vector_load %arg10[%swap3A_177, %swap3A_178] {strides = array<i32>} : memref<80x96xf32, #tpu.memory_space<vmem>>, vector<1x16xf32>,
        %swap3A_180 = vector.shape_cast %swap3A_179 : vector<1x16xf32> to vector<16xf32>
        %swap3A_181 = vector.shape_cast %add3A_176 : vector<16xf32> to vector<1x16xf32>
        tpu.vector_store %arg10[%swap3A_177, %swap3A_178], %swap3A_181 {strides = array<i32>} : memref<80x96xf32, #tpu.memory_space<vmem>>, vector<1x16xf32>,
        %mul3A_182 = vector.broadcast %squeeze3A_102 : f32 to vector<16xf32>
        %mul3A_183 = arith.mulf %mul3A_182, %get3A_110 : vector<16xf32>
        %mul3A_184 = vector.broadcast %squeeze3A_104 : f32 to vector<16xf32>
        %mul3A_185 = arith.mulf %mul3A_184, %get3A_118 : vector<16xf32>
        %add3A_186 = arith.addf %mul3A_183, %mul3A_185 : vector<16xf32>
        %mul3A_187 = vector.broadcast %squeeze3A_106 : f32 to vector<16xf32>
        %mul3A_188 = arith.mulf %mul3A_187, %get3A_126 : vector<16xf32>
        %add3A_189 = arith.addf %add3A_186, %mul3A_188 : vector<16xf32>
        %swap3A_190 = arith.index_cast %scan3A_86 : i32 to index
        %swap3A_191 = arith.constant 64 : index
        %swap3A_192 = tpu.vector_load %arg10[%swap3A_190, %swap3A_191] {strides = array<i32>} : memref<80x96xf32, #tpu.memory_space<vmem>>, vector<1x16xf32>,
        %swap3A_193 = vector.shape_cast %swap3A_192 : vector<1x16xf32> to vector<16xf32>
        %swap3A_194 = vector.shape_cast %add3A_189 : vector<16xf32> to vector<1x16xf32>
        tpu.vector_store %arg10[%swap3A_190, %swap3A_191], %swap3A_194 {strides = array<i32>} : memref<80x96xf32, #tpu.memory_space<vmem>>, vector<1x16xf32>,
        %mul3A_195 = vector.broadcast %squeeze3A_102 : f32 to vector<16xf32>
        %mul3A_196 = arith.mulf %mul3A_195, %get3A_114 : vector<16xf32>
        %mul3A_197 = vector.broadcast %squeeze3A_104 : f32 to vector<16xf32>
        %mul3A_198 = arith.mulf %mul3A_197, %get3A_122 : vector<16xf32>
        %add3A_199 = arith.addf %mul3A_196, %mul3A_198 : vector<16xf32>
        %mul3A_200 = vector.broadcast %squeeze3A_106 : f32 to vector<16xf32>
        %mul3A_201 = arith.mulf %mul3A_200, %get3A_130 : vector<16xf32>
        %add3A_202 = arith.addf %add3A_199, %mul3A_201 : vector<16xf32>
        %swap3A_203 = arith.index_cast %scan3A_86 : i32 to index
        %swap3A_204 = arith.constant 80 : index
        %swap3A_205 = tpu.vector_load %arg10[%swap3A_203, %swap3A_204] {strides = array<i32>} : memref<80x96xf32, #tpu.memory_space<vmem>>, vector<1x16xf32>,
        %swap3A_206 = vector.shape_cast %swap3A_205 : vector<1x16xf32> to vector<16xf32>
        %swap3A_207 = vector.shape_cast %add3A_202 : vector<16xf32> to vector<1x16xf32>
        tpu.vector_store %arg10[%swap3A_203, %swap3A_204], %swap3A_207 {strides = array<i32>} : memref<80x96xf32, #tpu.memory_space<vmem>>, vector<1x16xf32>,
        %scan3A_208 = arith.constant 0 : i32
        scf.yield %scan3A_208 : i32
      }
      %scan3A_84 = arith.constant 80 : i32
      "tpu.region"() ({
        %run_scoped3A = tpu.sem_alloc : memref<!tpu.dma_semaphore, #tpu.memory_space<semaphore_mem>>
        %dma_start3A_86 = arith.constant 0 : i32
        %dma_start3A_87 = arith.constant 0 : i32
        %dma_start3A_88 = tpu.memref_slice %arg13[%dma_start3A_86, %dma_start3A_87] : memref<10000x96xf32, #tpu.memory_space<vmem_shared>> -> memref<10000x96xf32, #tpu.memory_space<vmem_shared>>
        tpu.enqueue_indirect_dma source(%arg10 : memref<80x96xf32, #tpu.memory_space<vmem>>) target(%dma_start3A_88 : memref<10000x96xf32, #tpu.memory_space<vmem_shared>>) offsets(%arg8 : memref<80xi32, #tpu.memory_space<vmem>>) semaphore(%run_scoped3A : memref<!tpu.dma_semaphore, #tpu.memory_space<semaphore_mem>>) {add = true}
        %dma_wait3A_89 = arith.constant 0 : i32
        %dma_wait3A_90 = arith.constant 0 : i32
        %dma_wait3A_91 = tpu.memref_slice %arg13[%dma_wait3A_89, %dma_wait3A_90] : memref<10000x96xf32, #tpu.memory_space<vmem_shared>> -> memref<10000x96xf32, #tpu.memory_space<vmem_shared>>
        tpu.wait_indirect_dma semaphore(%run_scoped3A : memref<!tpu.dma_semaphore, #tpu.memory_space<semaphore_mem>>) src(%arg10 : memref<80x96xf32, #tpu.memory_space<vmem>>) dst(%dma_wait3A_91 : memref<10000x96xf32, #tpu.memory_space<vmem_shared>>)
        tpu.yield
      }) : () -> ()
      %scan3A_85 = arith.constant 0 : i32
      scf.yield %scan3A_85 : i32
    }
    %scan3A_58 = arith.constant 125 : i32
    %barrier3A_59 = arith.constant 0 : index
    tpu.barrier barrier_id(%barrier3A_59)
    %add3A_60 = arith.constant 2 : i32
    %add3A_61 = arith.addi %arg0, %add3A_60 : i32
    "tpu.region"() ({
      %run_scoped3A = tpu.sem_alloc : memref<!tpu.dma_semaphore, #tpu.memory_space<semaphore_mem>>
      %dma_start3A = arith.constant 0 : i32
      %dma_start3A_62 = tpu.memref_slice %arg6[%add3A_61, %mul3A_7, %dma_start3A] : memref<4x10000x96xf32, #tpu.memory_space<hbm>> -> memref<1x625x96xf32, #tpu.memory_space<hbm>>
      %dma_start3A_63 = tpu.memref_squeeze %dma_start3A_62 : memref<1x625x96xf32, #tpu.memory_space<hbm>> -> memref<625x96xf32, #tpu.memory_space<hbm>>
      %dma_start3A_64 = arith.constant 0 : i32
      %dma_start3A_65 = tpu.memref_slice %arg13[%mul3A_7, %dma_start3A_64] : memref<10000x96xf32, #tpu.memory_space<vmem_shared>> -> memref<625x96xf32, #tpu.memory_space<vmem_shared>>
      tpu.enqueue_dma source(%dma_start3A_65 : memref<625x96xf32, #tpu.memory_space<vmem_shared>>) target(%dma_start3A_63 : memref<625x96xf32, #tpu.memory_space<hbm>>) target_semaphore(%run_scoped3A : memref<!tpu.dma_semaphore, #tpu.memory_space<semaphore_mem>>)
      %dma_wait3A = arith.constant 0 : i32
      %dma_wait3A_66 = tpu.memref_slice %arg6[%add3A_61, %mul3A_7, %dma_wait3A] : memref<4x10000x96xf32, #tpu.memory_space<hbm>> -> memref<1x625x96xf32, #tpu.memory_space<hbm>>
      %dma_wait3A_67 = tpu.memref_squeeze %dma_wait3A_66 : memref<1x625x96xf32, #tpu.memory_space<hbm>> -> memref<625x96xf32, #tpu.memory_space<hbm>>
      %dma_wait3A_68 = arith.constant 0 : i32
      %dma_wait3A_69 = tpu.memref_slice %arg13[%mul3A_7, %dma_wait3A_68] : memref<10000x96xf32, #tpu.memory_space<vmem_shared>> -> memref<625x96xf32, #tpu.memory_space<vmem_shared>>
      tpu.wait_dma2 semaphore(%run_scoped3A : memref<!tpu.dma_semaphore, #tpu.memory_space<semaphore_mem>>) src(%dma_wait3A_69 : memref<625x96xf32, #tpu.memory_space<vmem_shared>>) dst(%dma_wait3A_67 : memref<625x96xf32, #tpu.memory_space<hbm>>)
      tpu.yield
    }) : () -> ()
    return
  }
}

module attributes {stable_mosaic.version = 14 : i64} {
  func.func @_front_body(%arg0: i32, %arg1: memref<1000x128xf32, #tpu.memory_space<vmem>>, %arg2: memref<1000x3x128xf32, #tpu.memory_space<vmem>>, %arg3: memref<1x128xf32, #tpu.memory_space<vmem>>, %arg4: memref<1x128xf32, #tpu.memory_space<vmem>>, %arg5: memref<128x256xf32, #tpu.memory_space<vmem>>, %arg6: memref<1x256xf32, #tpu.memory_space<vmem>>, %arg7: memref<256x128xf32, #tpu.memory_space<vmem>>, %arg8: memref<1x128xf32, #tpu.memory_space<vmem>>, %arg9: memref<128x256xf32, #tpu.memory_space<vmem>>, %arg10: memref<1x256xf32, #tpu.memory_space<vmem>>, %arg11: memref<256x128xf32, #tpu.memory_space<vmem>>, %arg12: memref<1x128xf32, #tpu.memory_space<vmem>>, %arg13: memref<1000x128xf32, #tpu.memory_space<vmem>>, %arg14: memref<4000x96xf32, #tpu.memory_space<vmem>>) attributes {dimension_semantics = [#tpu.dimension_semantics<arbitrary>], iteration_bounds = array<i64: 10>, scalar_prefetch = 0 : i64, scratch_operands = 0 : i64, tpu.core_type = #tpu.core_type<tc>, window_params = [{transform_indices = @transform_0, window_bounds = array<i64: 1000, 128>}, {transform_indices = @transform_1, window_bounds = array<i64: 1000, 3, 128>}, {pipeline_mode = #tpu.pipeline_mode<synchronous>, transform_indices = @transform_2, window_bounds = array<i64: 1, 128>}, {pipeline_mode = #tpu.pipeline_mode<synchronous>, transform_indices = @transform_3, window_bounds = array<i64: 1, 128>}, {pipeline_mode = #tpu.pipeline_mode<synchronous>, transform_indices = @transform_4, window_bounds = array<i64: 128, 256>}, {pipeline_mode = #tpu.pipeline_mode<synchronous>, transform_indices = @transform_5, window_bounds = array<i64: 1, 256>}, {pipeline_mode = #tpu.pipeline_mode<synchronous>, transform_indices = @transform_6, window_bounds = array<i64: 256, 128>}, {pipeline_mode = #tpu.pipeline_mode<synchronous>, transform_indices = @transform_7, window_bounds = array<i64: 1, 128>}, {pipeline_mode = #tpu.pipeline_mode<synchronous>, transform_indices = @transform_8, window_bounds = array<i64: 128, 256>}, {pipeline_mode = #tpu.pipeline_mode<synchronous>, transform_indices = @transform_9, window_bounds = array<i64: 1, 256>}, {pipeline_mode = #tpu.pipeline_mode<synchronous>, transform_indices = @transform_10, window_bounds = array<i64: 256, 128>}, {pipeline_mode = #tpu.pipeline_mode<synchronous>, transform_indices = @transform_11, window_bounds = array<i64: 1, 128>}, {transform_indices = @transform_12, window_bounds = array<i64: 1000, 128>}, {transform_indices = @transform_13, window_bounds = array<i64: 4000, 96>}]} {
    %get3A = arith.constant 0 : index
    %get3A_0 = arith.constant 0 : index
    %get3A_1 = vector.load %arg1[%get3A, %get3A_0] : memref<1000x128xf32, #tpu.memory_space<vmem>>, vector<1000x128xf32>
    %reduce_sum3A = arith.constant dense<0.000000e+00> : vector<1000xf32>
    %reduce_sum3A_2 = vector.multi_reduction <add>, %get3A_1, %reduce_sum3A [1] : vector<1000x128xf32> to vector<1000xf32>
    %broadcast_in_dim3A = vector.shape_cast %reduce_sum3A_2 : vector<1000xf32> to vector<1000x1xf32>
    %div3A = arith.constant 1.280000e+02 : f32
    %div3A_3 = vector.broadcast %div3A : f32 to vector<1000x1xf32>
    %div3A_4 = arith.divf %broadcast_in_dim3A, %div3A_3 : vector<1000x1xf32>
    %sub3A = vector.broadcast %div3A_4 : vector<1000x1xf32> to vector<1000x128xf32>
    %sub3A_5 = arith.subf %get3A_1, %sub3A : vector<1000x128xf32>
    %mul3A = arith.mulf %sub3A_5, %sub3A_5 : vector<1000x128xf32>
    %reduce_sum3A_6 = arith.constant dense<0.000000e+00> : vector<1000xf32>
    %reduce_sum3A_7 = vector.multi_reduction <add>, %mul3A, %reduce_sum3A_6 [1] : vector<1000x128xf32> to vector<1000xf32>
    %broadcast_in_dim3A_8 = vector.shape_cast %reduce_sum3A_7 : vector<1000xf32> to vector<1000x1xf32>
    %div3A_9 = arith.constant 1.280000e+02 : f32
    %div3A_10 = vector.broadcast %div3A_9 : f32 to vector<1000x1xf32>
    %div3A_11 = arith.divf %broadcast_in_dim3A_8, %div3A_10 : vector<1000x1xf32>
    %add3A = arith.constant 9.99999974E-6 : f32
    %add3A_12 = vector.broadcast %add3A : f32 to vector<1000x1xf32>
    %add3A_13 = arith.addf %div3A_11, %add3A_12 : vector<1000x1xf32>
    %rsqrt3A = math.rsqrt %add3A_13 : vector<1000x1xf32>
    %mul3A_14 = vector.broadcast %rsqrt3A : vector<1000x1xf32> to vector<1000x128xf32>
    %mul3A_15 = arith.mulf %sub3A_5, %mul3A_14 : vector<1000x128xf32>
    %get3A_16 = arith.constant 0 : index
    %get3A_17 = arith.constant 0 : index
    %get3A_18 = vector.load %arg3[%get3A_16, %get3A_17] : memref<1x128xf32, #tpu.memory_space<vmem>>, vector<1x128xf32>
    %mul3A_19 = vector.broadcast %get3A_18 : vector<1x128xf32> to vector<1000x128xf32>
    %mul3A_20 = arith.mulf %mul3A_15, %mul3A_19 : vector<1000x128xf32>
    %get3A_21 = arith.constant 0 : index
    %get3A_22 = arith.constant 0 : index
    %get3A_23 = vector.load %arg4[%get3A_21, %get3A_22] : memref<1x128xf32, #tpu.memory_space<vmem>>, vector<1x128xf32>
    %add3A_24 = vector.broadcast %get3A_23 : vector<1x128xf32> to vector<1000x128xf32>
    %add3A_25 = arith.addf %mul3A_20, %add3A_24 : vector<1000x128xf32>
    %get3A_26 = arith.constant 0 : index
    %get3A_27 = arith.constant 0 : index
    %get3A_28 = vector.load %arg5[%get3A_26, %get3A_27] : memref<128x256xf32, #tpu.memory_space<vmem>>, vector<128x256xf32>
    %dot_general3A = arith.constant dense<0.000000e+00> : vector<1000x256xf32>
    %dot_general3A_29 = tpu.matmul %add3A_25, %get3A_28, %dot_general3A {dimension_numbers = #tpu.dot_dimension_numbers<[1], [0], [0], [1], [0, 0, 1, 1], [], []>, transpose_lhs_hint = false} : vector<1000x128xf32>, vector<128x256xf32>, vector<1000x256xf32> -> vector<1000x256xf32>
    %get3A_30 = arith.constant 0 : index
    %get3A_31 = arith.constant 0 : index
    %get3A_32 = vector.load %arg6[%get3A_30, %get3A_31] : memref<1x256xf32, #tpu.memory_space<vmem>>, vector<1x256xf32>
    %add3A_33 = vector.broadcast %get3A_32 : vector<1x256xf32> to vector<1000x256xf32>
    %add3A_34 = arith.addf %dot_general3A_29, %add3A_33 : vector<1000x256xf32>
    %logistic3A = arith.negf %add3A_34 : vector<1000x256xf32>
    %logistic3A_35 = math.exp %logistic3A : vector<1000x256xf32>
    %logistic3A_36 = arith.constant 1.000000e+00 : f32
    %logistic3A_37 = vector.broadcast %logistic3A_36 : f32 to vector<1000x256xf32>
    %logistic3A_38 = arith.addf %logistic3A_37, %logistic3A_35 : vector<1000x256xf32>
    %logistic3A_39 = arith.divf %logistic3A_37, %logistic3A_38 : vector<1000x256xf32>
    %mul3A_40 = arith.mulf %add3A_34, %logistic3A_39 : vector<1000x256xf32>
    %get3A_41 = arith.constant 0 : index
    %get3A_42 = arith.constant 0 : index
    %get3A_43 = vector.load %arg7[%get3A_41, %get3A_42] : memref<256x128xf32, #tpu.memory_space<vmem>>, vector<256x128xf32>
    %dot_general3A_44 = arith.constant dense<0.000000e+00> : vector<1000x128xf32>
    %dot_general3A_45 = tpu.matmul %mul3A_40, %get3A_43, %dot_general3A_44 {dimension_numbers = #tpu.dot_dimension_numbers<[1], [0], [0], [1], [0, 0, 1, 1], [], []>, transpose_lhs_hint = false} : vector<1000x256xf32>, vector<256x128xf32>, vector<1000x128xf32> -> vector<1000x128xf32>
    %get3A_46 = arith.constant 0 : index
    %get3A_47 = arith.constant 0 : index
    %get3A_48 = vector.load %arg8[%get3A_46, %get3A_47] : memref<1x128xf32, #tpu.memory_space<vmem>>, vector<1x128xf32>
    %add3A_49 = vector.broadcast %get3A_48 : vector<1x128xf32> to vector<1000x128xf32>
    %add3A_50 = arith.addf %dot_general3A_45, %add3A_49 : vector<1000x128xf32>
    %get3A_51 = arith.constant 0 : index
    %get3A_52 = arith.constant 0 : index
    %get3A_53 = vector.load %arg9[%get3A_51, %get3A_52] : memref<128x256xf32, #tpu.memory_space<vmem>>, vector<128x256xf32>
    %dot_general3A_54 = arith.constant dense<0.000000e+00> : vector<1000x256xf32>
    %dot_general3A_55 = tpu.matmul %add3A_25, %get3A_53, %dot_general3A_54 {dimension_numbers = #tpu.dot_dimension_numbers<[1], [0], [0], [1], [0, 0, 1, 1], [], []>, transpose_lhs_hint = false} : vector<1000x128xf32>, vector<128x256xf32>, vector<1000x256xf32> -> vector<1000x256xf32>
    %get3A_56 = arith.constant 0 : index
    %get3A_57 = arith.constant 0 : index
    %get3A_58 = vector.load %arg10[%get3A_56, %get3A_57] : memref<1x256xf32, #tpu.memory_space<vmem>>, vector<1x256xf32>
    %add3A_59 = vector.broadcast %get3A_58 : vector<1x256xf32> to vector<1000x256xf32>
    %add3A_60 = arith.addf %dot_general3A_55, %add3A_59 : vector<1000x256xf32>
    %logistic3A_61 = arith.negf %add3A_60 : vector<1000x256xf32>
    %logistic3A_62 = math.exp %logistic3A_61 : vector<1000x256xf32>
    %logistic3A_63 = arith.constant 1.000000e+00 : f32
    %logistic3A_64 = vector.broadcast %logistic3A_63 : f32 to vector<1000x256xf32>
    %logistic3A_65 = arith.addf %logistic3A_64, %logistic3A_62 : vector<1000x256xf32>
    %logistic3A_66 = arith.divf %logistic3A_64, %logistic3A_65 : vector<1000x256xf32>
    %mul3A_67 = arith.mulf %add3A_60, %logistic3A_66 : vector<1000x256xf32>
    %get3A_68 = arith.constant 0 : index
    %get3A_69 = arith.constant 0 : index
    %get3A_70 = vector.load %arg11[%get3A_68, %get3A_69] : memref<256x128xf32, #tpu.memory_space<vmem>>, vector<256x128xf32>
    %dot_general3A_71 = arith.constant dense<0.000000e+00> : vector<1000x128xf32>
    %dot_general3A_72 = tpu.matmul %mul3A_67, %get3A_70, %dot_general3A_71 {dimension_numbers = #tpu.dot_dimension_numbers<[1], [0], [0], [1], [0, 0, 1, 1], [], []>, transpose_lhs_hint = false} : vector<1000x256xf32>, vector<256x128xf32>, vector<1000x128xf32> -> vector<1000x128xf32>
    %get3A_73 = arith.constant 0 : index
    %get3A_74 = arith.constant 0 : index
    %get3A_75 = vector.load %arg12[%get3A_73, %get3A_74] : memref<1x128xf32, #tpu.memory_space<vmem>>, vector<1x128xf32>
    %add3A_76 = vector.broadcast %get3A_75 : vector<1x128xf32> to vector<1000x128xf32>
    %add3A_77 = arith.addf %dot_general3A_72, %add3A_76 : vector<1000x128xf32>
    %broadcast_in_dim3A_78 = vector.shape_cast %add3A_77 : vector<1000x128xf32> to vector<1000x1x128xf32>
    %get3A_79 = arith.constant 0 : index
    %get3A_80 = arith.constant 0 : index
    %get3A_81 = arith.constant 0 : index
    %get3A_82 = vector.load %arg2[%get3A_79, %get3A_80, %get3A_81] : memref<1000x3x128xf32, #tpu.memory_space<vmem>>, vector<1000x3x128xf32>
    %mul3A_83 = vector.broadcast %broadcast_in_dim3A_78 : vector<1000x1x128xf32> to vector<1000x3x128xf32>
    %mul3A_84 = arith.mulf %mul3A_83, %get3A_82 : vector<1000x3x128xf32>
    %slice3A = vector.extract_strided_slice %mul3A_84 {offsets = [0, 0, 0], sizes = [1000, 1, 32], strides = [1, 1, 1]} : vector<1000x3x128xf32> to vector<1000x1x32xf32>
    %squeeze3A = vector.shape_cast %slice3A : vector<1000x1x32xf32> to vector<1000x32xf32>
    %slice3A_85 = vector.extract_strided_slice %mul3A_84 {offsets = [0, 1, 0], sizes = [1000, 1, 32], strides = [1, 1, 1]} : vector<1000x3x128xf32> to vector<1000x1x32xf32>
    %squeeze3A_86 = vector.shape_cast %slice3A_85 : vector<1000x1x32xf32> to vector<1000x32xf32>
    %slice3A_87 = vector.extract_strided_slice %mul3A_84 {offsets = [0, 2, 0], sizes = [1000, 1, 32], strides = [1, 1, 1]} : vector<1000x3x128xf32> to vector<1000x1x32xf32>
    %squeeze3A_88 = vector.shape_cast %slice3A_87 : vector<1000x1x32xf32> to vector<1000x32xf32>
    %concatenate3A = tpu.concatenate %squeeze3A, %squeeze3A_86, %squeeze3A_88 in 1 : vector<1000x32xf32>, vector<1000x32xf32>, vector<1000x32xf32> -> vector<1000x96xf32>
    %broadcast_in_dim3A_89 = vector.shape_cast %concatenate3A : vector<1000x96xf32> to vector<1000x1x96xf32>
    %slice3A_90 = vector.extract_strided_slice %mul3A_84 {offsets = [0, 0, 32], sizes = [1000, 1, 32], strides = [1, 1, 1]} : vector<1000x3x128xf32> to vector<1000x1x32xf32>
    %squeeze3A_91 = vector.shape_cast %slice3A_90 : vector<1000x1x32xf32> to vector<1000x32xf32>
    %slice3A_92 = vector.extract_strided_slice %mul3A_84 {offsets = [0, 1, 32], sizes = [1000, 1, 32], strides = [1, 1, 1]} : vector<1000x3x128xf32> to vector<1000x1x32xf32>
    %squeeze3A_93 = vector.shape_cast %slice3A_92 : vector<1000x1x32xf32> to vector<1000x32xf32>
    %slice3A_94 = vector.extract_strided_slice %mul3A_84 {offsets = [0, 2, 32], sizes = [1000, 1, 32], strides = [1, 1, 1]} : vector<1000x3x128xf32> to vector<1000x1x32xf32>
    %squeeze3A_95 = vector.shape_cast %slice3A_94 : vector<1000x1x32xf32> to vector<1000x32xf32>
    %concatenate3A_96 = tpu.concatenate %squeeze3A_91, %squeeze3A_93, %squeeze3A_95 in 1 : vector<1000x32xf32>, vector<1000x32xf32>, vector<1000x32xf32> -> vector<1000x96xf32>
    %broadcast_in_dim3A_97 = vector.shape_cast %concatenate3A_96 : vector<1000x96xf32> to vector<1000x1x96xf32>
    %slice3A_98 = vector.extract_strided_slice %mul3A_84 {offsets = [0, 0, 64], sizes = [1000, 1, 32], strides = [1, 1, 1]} : vector<1000x3x128xf32> to vector<1000x1x32xf32>
    %squeeze3A_99 = vector.shape_cast %slice3A_98 : vector<1000x1x32xf32> to vector<1000x32xf32>
    %slice3A_100 = vector.extract_strided_slice %mul3A_84 {offsets = [0, 1, 64], sizes = [1000, 1, 32], strides = [1, 1, 1]} : vector<1000x3x128xf32> to vector<1000x1x32xf32>
    %squeeze3A_101 = vector.shape_cast %slice3A_100 : vector<1000x1x32xf32> to vector<1000x32xf32>
    %slice3A_102 = vector.extract_strided_slice %mul3A_84 {offsets = [0, 2, 64], sizes = [1000, 1, 32], strides = [1, 1, 1]} : vector<1000x3x128xf32> to vector<1000x1x32xf32>
    %squeeze3A_103 = vector.shape_cast %slice3A_102 : vector<1000x1x32xf32> to vector<1000x32xf32>
    %concatenate3A_104 = tpu.concatenate %squeeze3A_99, %squeeze3A_101, %squeeze3A_103 in 1 : vector<1000x32xf32>, vector<1000x32xf32>, vector<1000x32xf32> -> vector<1000x96xf32>
    %broadcast_in_dim3A_105 = vector.shape_cast %concatenate3A_104 : vector<1000x96xf32> to vector<1000x1x96xf32>
    %slice3A_106 = vector.extract_strided_slice %mul3A_84 {offsets = [0, 0, 96], sizes = [1000, 1, 32], strides = [1, 1, 1]} : vector<1000x3x128xf32> to vector<1000x1x32xf32>
    %squeeze3A_107 = vector.shape_cast %slice3A_106 : vector<1000x1x32xf32> to vector<1000x32xf32>
    %slice3A_108 = vector.extract_strided_slice %mul3A_84 {offsets = [0, 1, 96], sizes = [1000, 1, 32], strides = [1, 1, 1]} : vector<1000x3x128xf32> to vector<1000x1x32xf32>
    %squeeze3A_109 = vector.shape_cast %slice3A_108 : vector<1000x1x32xf32> to vector<1000x32xf32>
    %slice3A_110 = vector.extract_strided_slice %mul3A_84 {offsets = [0, 2, 96], sizes = [1000, 1, 32], strides = [1, 1, 1]} : vector<1000x3x128xf32> to vector<1000x1x32xf32>
    %squeeze3A_111 = vector.shape_cast %slice3A_110 : vector<1000x1x32xf32> to vector<1000x32xf32>
    %concatenate3A_112 = tpu.concatenate %squeeze3A_107, %squeeze3A_109, %squeeze3A_111 in 1 : vector<1000x32xf32>, vector<1000x32xf32>, vector<1000x32xf32> -> vector<1000x96xf32>
    %broadcast_in_dim3A_113 = vector.shape_cast %concatenate3A_112 : vector<1000x96xf32> to vector<1000x1x96xf32>
    %concatenate3A_114 = tpu.concatenate %broadcast_in_dim3A_89, %broadcast_in_dim3A_97, %broadcast_in_dim3A_105, %broadcast_in_dim3A_113 in 1 : vector<1000x1x96xf32>, vector<1000x1x96xf32>, vector<1000x1x96xf32>, vector<1000x1x96xf32> -> vector<1000x4x96xf32>
    %reshape3A = vector.shape_cast %concatenate3A_114 : vector<1000x4x96xf32> to vector<4000x96xf32>
    %swap3A = arith.constant 0 : index
    %swap3A_115 = arith.constant 0 : index
    %swap3A_116 = vector.load %arg13[%swap3A, %swap3A_115] : memref<1000x128xf32, #tpu.memory_space<vmem>>, vector<1000x128xf32>
    tpu.vector_store %arg13[%swap3A, %swap3A_115], %add3A_50 {strides = array<i32>} : memref<1000x128xf32, #tpu.memory_space<vmem>>, vector<1000x128xf32>,
    %swap3A_117 = arith.constant 0 : index
    %swap3A_118 = arith.constant 0 : index
    %swap3A_119 = vector.load %arg14[%swap3A_117, %swap3A_118] : memref<4000x96xf32, #tpu.memory_space<vmem>>, vector<4000x96xf32>
    tpu.vector_store %arg14[%swap3A_117, %swap3A_118], %reshape3A {strides = array<i32>} : memref<4000x96xf32, #tpu.memory_space<vmem>>, vector<4000x96xf32>,
    return
  }
  func.func @transform_0(%arg0: i32) -> (i32, i32) {
    %c0_i32 = arith.constant 0 : i32
    %c0_i32_0 = arith.constant 0 : i32
    return %arg0, %c0_i32 : i32, i32
  }
  func.func @transform_1(%arg0: i32) -> (i32, i32, i32) {
    %c0_i32 = arith.constant 0 : i32
    %c0_i32_0 = arith.constant 0 : i32
    %c0_i32_1 = arith.constant 0 : i32
    return %arg0, %c0_i32, %c0_i32_0 : i32, i32, i32
  }
  func.func @transform_2(%arg0: i32) -> (i32, i32) {
    %c0_i32 = arith.constant 0 : i32
    %c0_i32_0 = arith.constant 0 : i32
    %c0_i32_1 = arith.constant 0 : i32
    return %c0_i32, %c0_i32_0 : i32, i32
  }
  func.func @transform_3(%arg0: i32) -> (i32, i32) {
    %c0_i32 = arith.constant 0 : i32
    %c0_i32_0 = arith.constant 0 : i32
    %c0_i32_1 = arith.constant 0 : i32
    return %c0_i32, %c0_i32_0 : i32, i32
  }
  func.func @transform_4(%arg0: i32) -> (i32, i32) {
    %c0_i32 = arith.constant 0 : i32
    %c0_i32_0 = arith.constant 0 : i32
    %c0_i32_1 = arith.constant 0 : i32
    return %c0_i32, %c0_i32_0 : i32, i32
  }
  func.func @transform_5(%arg0: i32) -> (i32, i32) {
    %c0_i32 = arith.constant 0 : i32
    %c0_i32_0 = arith.constant 0 : i32
    %c0_i32_1 = arith.constant 0 : i32
    return %c0_i32, %c0_i32_0 : i32, i32
  }
  func.func @transform_6(%arg0: i32) -> (i32, i32) {
    %c0_i32 = arith.constant 0 : i32
    %c0_i32_0 = arith.constant 0 : i32
    %c0_i32_1 = arith.constant 0 : i32
    return %c0_i32, %c0_i32_0 : i32, i32
  }
  func.func @transform_7(%arg0: i32) -> (i32, i32) {
    %c0_i32 = arith.constant 0 : i32
    %c0_i32_0 = arith.constant 0 : i32
    %c0_i32_1 = arith.constant 0 : i32
    return %c0_i32, %c0_i32_0 : i32, i32
  }
  func.func @transform_8(%arg0: i32) -> (i32, i32) {
    %c0_i32 = arith.constant 0 : i32
    %c0_i32_0 = arith.constant 0 : i32
    %c0_i32_1 = arith.constant 0 : i32
    return %c0_i32, %c0_i32_0 : i32, i32
  }
  func.func @transform_9(%arg0: i32) -> (i32, i32) {
    %c0_i32 = arith.constant 0 : i32
    %c0_i32_0 = arith.constant 0 : i32
    %c0_i32_1 = arith.constant 0 : i32
    return %c0_i32, %c0_i32_0 : i32, i32
  }
  func.func @transform_10(%arg0: i32) -> (i32, i32) {
    %c0_i32 = arith.constant 0 : i32
    %c0_i32_0 = arith.constant 0 : i32
    %c0_i32_1 = arith.constant 0 : i32
    return %c0_i32, %c0_i32_0 : i32, i32
  }
  func.func @transform_11(%arg0: i32) -> (i32, i32) {
    %c0_i32 = arith.constant 0 : i32
    %c0_i32_0 = arith.constant 0 : i32
    %c0_i32_1 = arith.constant 0 : i32
    return %c0_i32, %c0_i32_0 : i32, i32
  }
  func.func @transform_12(%arg0: i32) -> (i32, i32) {
    %c0_i32 = arith.constant 0 : i32
    %c0_i32_0 = arith.constant 0 : i32
    return %arg0, %c0_i32 : i32, i32
  }
  func.func @transform_13(%arg0: i32) -> (i32, i32) {
    %c0_i32 = arith.constant 0 : i32
    %c0_i32_0 = arith.constant 0 : i32
    return %arg0, %c0_i32 : i32, i32
  }
}

module attributes {stable_mosaic.version = 14 : i64} {
  func.func @_final_body(%arg0: i32, %arg1: memref<4x1000x3x32xf32, #tpu.memory_space<vmem>>, %arg2: memref<1000x128xf32, #tpu.memory_space<vmem>>, %arg3: memref<1000x3x128xf32, #tpu.memory_space<vmem>>) attributes {dimension_semantics = [#tpu.dimension_semantics<arbitrary>], iteration_bounds = array<i64: 10>, scalar_prefetch = 0 : i64, scratch_operands = 0 : i64, tpu.core_type = #tpu.core_type<tc>, window_params = [{transform_indices = @transform_0, window_bounds = array<i64: 4, 1000, 3, 32>}, {transform_indices = @transform_1, window_bounds = array<i64: 1000, 128>}, {transform_indices = @transform_2, window_bounds = array<i64: 1000, 3, 128>}]} {
    %get3A = arith.constant 0 : index
    %get3A_0 = arith.constant 0 : index
    %get3A_1 = arith.constant 0 : index
    %get3A_2 = arith.constant 0 : index
    %get3A_3 = vector.load %arg1[%get3A, %get3A_0, %get3A_1, %get3A_2] : memref<4x1000x3x32xf32, #tpu.memory_space<vmem>>, vector<1x1000x3x32xf32>
    %get3A_4 = vector.shape_cast %get3A_3 : vector<1x1000x3x32xf32> to vector<1000x3x32xf32>
    %get3A_5 = arith.constant 1 : index
    %get3A_6 = arith.constant 0 : index
    %get3A_7 = arith.constant 0 : index
    %get3A_8 = arith.constant 0 : index
    %get3A_9 = vector.load %arg1[%get3A_5, %get3A_6, %get3A_7, %get3A_8] : memref<4x1000x3x32xf32, #tpu.memory_space<vmem>>, vector<1x1000x3x32xf32>
    %get3A_10 = vector.shape_cast %get3A_9 : vector<1x1000x3x32xf32> to vector<1000x3x32xf32>
    %get3A_11 = arith.constant 2 : index
    %get3A_12 = arith.constant 0 : index
    %get3A_13 = arith.constant 0 : index
    %get3A_14 = arith.constant 0 : index
    %get3A_15 = vector.load %arg1[%get3A_11, %get3A_12, %get3A_13, %get3A_14] : memref<4x1000x3x32xf32, #tpu.memory_space<vmem>>, vector<1x1000x3x32xf32>
    %get3A_16 = vector.shape_cast %get3A_15 : vector<1x1000x3x32xf32> to vector<1000x3x32xf32>
    %get3A_17 = arith.constant 3 : index
    %get3A_18 = arith.constant 0 : index
    %get3A_19 = arith.constant 0 : index
    %get3A_20 = arith.constant 0 : index
    %get3A_21 = vector.load %arg1[%get3A_17, %get3A_18, %get3A_19, %get3A_20] : memref<4x1000x3x32xf32, #tpu.memory_space<vmem>>, vector<1x1000x3x32xf32>
    %get3A_22 = vector.shape_cast %get3A_21 : vector<1x1000x3x32xf32> to vector<1000x3x32xf32>
    %concatenate3A = tpu.concatenate %get3A_4, %get3A_10, %get3A_16, %get3A_22 in 2 : vector<1000x3x32xf32>, vector<1000x3x32xf32>, vector<1000x3x32xf32>, vector<1000x3x32xf32> -> vector<1000x3x128xf32>
    %get3A_23 = arith.constant 0 : index
    %get3A_24 = arith.constant 0 : index
    %get3A_25 = vector.load %arg2[%get3A_23, %get3A_24] : memref<1000x128xf32, #tpu.memory_space<vmem>>, vector<1000x128xf32>
    %broadcast_in_dim3A = vector.shape_cast %get3A_25 : vector<1000x128xf32> to vector<1000x1x128xf32>
    %mul3A = vector.broadcast %broadcast_in_dim3A : vector<1000x1x128xf32> to vector<1000x3x128xf32>
    %mul3A_26 = arith.mulf %concatenate3A, %mul3A : vector<1000x3x128xf32>
    %swap3A = arith.constant 0 : index
    %swap3A_27 = arith.constant 0 : index
    %swap3A_28 = arith.constant 0 : index
    %swap3A_29 = vector.load %arg3[%swap3A, %swap3A_27, %swap3A_28] : memref<1000x3x128xf32, #tpu.memory_space<vmem>>, vector<1000x3x128xf32>
    tpu.vector_store %arg3[%swap3A, %swap3A_27, %swap3A_28], %mul3A_26 {strides = array<i32>} : memref<1000x3x128xf32, #tpu.memory_space<vmem>>, vector<1000x3x128xf32>,
    return
  }
  func.func @transform_0(%arg0: i32) -> (i32, i32, i32, i32) {
    %c0_i32 = arith.constant 0 : i32
    %c0_i32_0 = arith.constant 0 : i32
    %c0_i32_1 = arith.constant 0 : i32
    %c0_i32_2 = arith.constant 0 : i32
    return %c0_i32, %arg0, %c0_i32_0, %c0_i32_1 : i32, i32, i32, i32
  }
  func.func @transform_1(%arg0: i32) -> (i32, i32) {
    %c0_i32 = arith.constant 0 : i32
    %c0_i32_0 = arith.constant 0 : i32
    return %arg0, %c0_i32 : i32, i32
  }
  func.func @transform_2(%arg0: i32) -> (i32, i32, i32) {
    %c0_i32 = arith.constant 0 : i32
    %c0_i32_0 = arith.constant 0 : i32
    %c0_i32_1 = arith.constant 0 : i32
    return %arg0, %c0_i32, %c0_i32_0 : i32, i32, i32
  }
}

</mosaic_0001>

<sc_bundles>
// kernel: kernel.5.cloned.1.call-start
scs
__scs_entry_jumppad:
0x0: {  	(pc) =	sbr.rel $0x88, $3  }
0x1: {  	(tag) =	ssettag $0x0;
	lr =	simm.s32 $0x1  }
0x2: {  	[smem:$0x3F92] =	sst lr;
	_ =	strace $0xD0000000  }
0x3: {  	_ = 	snop  }
0x4: {  	_ = 	snop  }
0x5: {  	_ = 	snop  }
0x6: {  	_ = 	snop  }
0x7: {  	_ = 	snop  }
__scs_overlays_trampoline_lowered:
0x8: {  	[smem:$0x3FA1] =	sst s0  }
0x9: {  	[smem:$0x3FA2] =	sst s1  }
0xa: {  	[smem:$0x3FA3] =	sst s2  }
0xb: {  	[smem:$0x3FA4] =	sst s3  }
0xc: {  	[smem:$0x3FA5] =	sst s4  }
0xd: {  	[smem:$0x3FA6] =	sst s5  }
0xe: {  	[smem:$0x3FA7] =	sst s6  }
0xf: {  	[smem:$0x3FA8] =	sst s7  }
0x10: {  	[smem:$0x3FA9] =	sst s8  }
0x11: {  	[smem:$0x3FAA] =	sst s9;
	s0 =	simm.s32 @!p0 $0x0  }
0x12: {  	s1 =	sld [smem:$0x3F90];
	s0 =	simm.s32 @p0 $0x1  }
0x13: {  	[smem:$0x3FAB] =	sst s0;
	s0 =	simm.s32 @!p1 $0x0  }
0x14: {  	s2 =	sld [smem:$0x3F8F];
	s0 =	simm.s32 @p1 $0x1  }
0x15: {  	[smem:$0x3FAC] =	sst s0;
	s0 =	simm.s32 @!p2 $0x0  }
0x16: {  	s3 =	sld [smem:$0x3FDB];
	s0 =	simm.s32 @p2 $0x1  }
0x17: {  	s4 =	simm.s32 $0x1BF5;
	[smem:$0x3FAE] =	sst s0  }
0x18: {  	s0 =	sld [smem:$0x3F91];
	_ =	swait.ge [sflag:s4], $0x0  }
0x19: {  	s7 =	sld [smem:$0x3F92]  }
0x1a: {  	s8 =	sadd.s32 $0xFFFFE003, lr  }
0x1b: {  	s9 =	sadd.s32 $0xFFFFFEF7, lr;
	s5 =	simm.s32 $0xFFFFFFFF;
	p2 =	slt.u32 s8, $0xFFFFF086  }
0x1c: {  	p1 =	slt.u32 s9, $0xF7A;
	s5 =	simm.s32 @!p2 $0x0  }
0x1d: {  	s5 =	simm.s32 @p1 $0x1;
	p0 =	seq.s32 s7, s2  }
0x1e: {  	s7 =	smul.u32 @!p0 $0xF7A, s2;
	p2 =	seq.s32 @!p0 s5, $0x0  }
0x1f: {  	s9 =	smul.u32 $0xF7A, s1;
	s8 =	simm.s32 @!p0 $0x1BF5;
	p2 =	por !p2, p0  }
0x20: {  	[sflag:s8] =	ssyncset.s32 @!p0 $0xFFFFF086;
	s6 =	sadd.s32 @!p0 s3, s7;
	s7 =	simm.s32 @!p0 $0x108  }
0x21: {  	s3 =	sadd.s32 s3, s9;
	s6 =	sadd.s32 @!p0 $0x88, s6;
	s7 =	simm.s32 @p2 $0x1082  }
0x22: {  	[simem:s7], [sflag:s8] =	dma.local @!p0 [hbm:s6], $0xF7A  }
0x23: {  	s9 =	sor.u32 $0xD0000000, s2;
	s6 =	simm.s32 $0x108;
	_ =	swait.ge @!p0 [sflag:s8], $0x0  }
0x24: {  	s3 =	sadd.s32 $0x88, s3;
	s6 =	simm.s32 @!p1 $0x1082;
	[sflag:s4] =	ssyncset.s32 $0xFFFFF086  }
0x25: {  	[simem:s6], [sflag:s4] =	dma.local [hbm:s3], $0xF7A  }
0x26: {  	[smem:$0x3F92] =	sst s1;
	(tag) =	ssettag s2;
	_ =	strace s9  }
0x27: {  	s1 =	sld [smem:$0x3FA2]  }
0x28: {  	s2 =	sld [smem:$0x3FA3]  }
0x29: {  	s4 =	sld [smem:$0x3FA5]  }
0x2a: {  	p0 =	seq.s32 s5, $0x0;
	s5 =	sld [smem:$0x3FA6]  }
0x2b: {  	s6 =	sld [smem:$0x3FA7]  }
0x2c: {  	s7 =	sld [smem:$0x3FA8]  }
0x2d: {  	s3 =	simm.s32 $0x108;
	s8 =	sld [smem:$0x3FA9]  }
0x2e: {  	s3 =	simm.s32 @!p0 $0x1082;
	s9 =	sld [smem:$0x3FAA]  }
0x2f: {  	lr =	sadd.s32 s0, s3;
	s0 =	sld [smem:$0x3FA1]  }
0x30: {  	s3 =	sld [smem:$0x3FA4]  }
0x31: {  	[smem:$0x3FAD] =	sst s10  }
0x32: {  	s10 =	sld [smem:$0x3FAB];
	_ =	sdelay $0x3  }
0x33: {  	p0 =	seq.s32 s10, $0x1;
	s10 =	sld [smem:$0x3FAD];
	_ =	sdelay $0x3  }
0x34: {  	[smem:$0x3FAD] =	sst s10  }
0x35: {  	s10 =	sld [smem:$0x3FAC];
	_ =	sdelay $0x3  }
0x36: {  	p1 =	seq.s32 s10, $0x1;
	s10 =	sld [smem:$0x3FAD];
	_ =	sdelay $0x3  }
0x37: {  	[smem:$0x3FAD] =	sst s10  }
0x38: {  	s10 =	sld [smem:$0x3FAE]  }
0x39: {  	_ = 	snop;
	(pc) =	sbr.ind lr, $3  }
0x3a: {  	_ = 	snop  }
0x3b: {  	_ = 	snop  }
0x3c: {  	p2 =	seq.s32 s10, $0x1;
	s10 =	sld [smem:$0x3FAD]  }
0x3d: {  	_ =	shalt  }
0x3e: {  	_ =	shalt  }
0x3f: {  	_ =	shalt  }
0x40: {  	_ =	shalt  }
0x41: {  	_ =	shalt  }
0x42: {  	_ =	shalt  }
0x43: {  	_ =	shalt  }
0x44: {  	_ =	shalt  }
0x45: {  	_ =	shalt  }
0x46: {  	_ =	shalt  }
0x47: {  	_ =	shalt  }
0x48: {  	_ =	shalt  }
0x49: {  	_ =	shalt  }
0x4a: {  	_ =	shalt  }
0x4b: {  	_ =	shalt  }
0x4c: {  	_ =	shalt  }
0x4d: {  	_ =	shalt  }
0x4e: {  	_ =	shalt  }
0x4f: {  	_ =	shalt  }
0x50: {  	_ =	shalt  }
0x51: {  	_ =	shalt  }
0x52: {  	_ =	shalt  }
0x53: {  	_ =	shalt  }
0x54: {  	_ =	shalt  }
0x55: {  	_ =	shalt  }
0x56: {  	_ =	shalt  }
0x57: {  	_ =	shalt  }
0x58: {  	_ =	shalt  }
0x59: {  	_ =	shalt  }
0x5a: {  	_ =	shalt  }
0x5b: {  	_ =	shalt  }
0x5c: {  	_ =	shalt  }
0x5d: {  	_ =	shalt  }
0x5e: {  	_ =	shalt  }
0x5f: {  	_ =	shalt  }
0x60: {  	_ =	shalt  }
0x61: {  	_ =	shalt  }
0x62: {  	_ =	shalt  }
0x63: {  	_ =	shalt  }
0x64: {  	_ =	shalt  }
0x65: {  	_ =	shalt  }
0x66: {  	_ =	shalt  }
0x67: {  	_ =	shalt  }
0x68: {  	_ =	shalt  }
0x69: {  	_ =	shalt  }
0x6a: {  	_ =	shalt  }
0x6b: {  	_ =	shalt  }
0x6c: {  	_ =	shalt  }
0x6d: {  	_ =	shalt  }
0x6e: {  	_ =	shalt  }
0x6f: {  	_ =	shalt  }
0x70: {  	_ =	shalt  }
0x71: {  	_ =	shalt  }
0x72: {  	_ =	shalt  }
0x73: {  	_ =	shalt  }
0x74: {  	_ =	shalt  }
0x75: {  	_ =	shalt  }
0x76: {  	_ =	shalt  }
0x77: {  	_ =	shalt  }
0x78: {  	_ =	shalt  }
0x79: {  	_ =	shalt  }
0x7a: {  	_ =	shalt  }
0x7b: {  	_ =	shalt  }
0x7c: {  	_ =	shalt  }
0x7d: {  	_ =	shalt  }
0x7e: {  	_ =	shalt  }
0x7f: {  	_ =	shalt  }
0x80: {  	_ =	shalt  }
0x81: {  	_ =	shalt  }
0x82: {  	_ =	shalt  }
0x83: {  	_ =	shalt  }
0x84: {  	_ =	shalt  }
0x85: {  	_ =	shalt  }
0x86: {  	_ =	shalt  }
0x87: {  	_ =	shalt  }
.Lfunc_end0:
.L_simem_size_0:
called_computation_lowered:
.L_overlay_start_0:
0x88: {  	s2 =	sld [smem:$0x3FD9]  }
0x89: {  	s3 =	sld [smem:$0x3FFE];
	_ =	sdelay $0x1  }
0x8a: {  	s1 =	srdreg.scid  }
0x8b: {  	s0 =	sand.u32 $0x1, s1  }
0x8c: {  	s17 =	sshll.u32 s0, $0xA;
	s2 =	sadd.s32 s3, s2  }
0x8d: {  	s2 =	sadd.s32 s2, s17  }
0x8e: {  	[smem:$0x3FB9] =	sst s2  }
0x8f: {  	_ = 	snop  }
0x90: {  	s2 =	sld [smem:$0x3FC7]  }
0x91: {  	s18 =	sld [smem:$0x3FC6]  }
0x92: {  	s4 =	sld [smem:$0x3FD0];
	(tm) =	ssettm $0x1  }
0x93: {  	s5 =	sld [smem:$0x3FFB];
	_ =	sdelay $0x3  }
0x94: {  	_ =	strace s5  }
0x95: {  	s5 =	sld [smem:$0x3FFC];
	_ =	sdelay $0x3  }
0x96: {  	_ =	strace s5  }
0x97: {  	s5 =	sld [smem:$0x3FFD];
	_ =	sdelay $0x3  }
0x98: {  	_ =	strace s5  }
0x99: {  	_ =	strace $0x8FFFFFFF  }
0x9a: {  	s19 =	sld [smem:$0x3FDB];
	_ =	sdelay $0x1  }
0x9b: {  	s6 =	simm.s32 $_scs_section_size  }
0x9c: {  	s7 =	simm.s32 $_size__tile_overlayer_lowered;
	s8 =	simm.s32 $_tile_overlayer_lowered  }
0x9d: {  	s22 =	simm.s32 $0x1BFF;
	s21 =	sshll.u32 s8, $0x1;
	s5 =	sadd.s32 s6, s19  }
0x9e: {  	s9 =	simm.s32 $0x0;
	s20 =	sshll.u32 s7, $0x1;
	s7 =	sadd.s32 s21, s5  }
0x9f: {  	[timem:s9], [sflag:s22] =	dma.local [hbm:s7], s20  }
0xa0: {  	_ =	swait.ge [sflag:s22], s20  }
0xa1: {  	s6 =	ssub.s32 $0x0, s20;
	[sflag:s22] =	ssyncset.done $0x0  }
0xa2: {  	[sflag:s22] =	ssyncadd.s32 s6;
	_ =	sdelay $0x1  }
0xa3: {  	s23 =	simm.s32 $0x1B8B  }
0xa4: {  	_ =	swait.ge [sflag:s23], $0x1  }
0xa5: {  	[sflag:s23] =	ssyncset.done $0x0  }
0xa6: {  	s25 =	simm.s32 $0x1B8E;
	s24 =	sld [smem:$0x3FFE];
	[sflag:s23] =	ssyncadd.s32 $0xFFFFFFFF  }
0xa7: {  	s26 =	simm.s32 $execute0_lowered;
	[smem:$0x3FD2] =	sst s25  }
0xa8: {  	s7 =	sshll.u32 s26, $0x1;
	_ =	strace $0x80000046;
	[dreg:$0x1] =	wrdreg $0xFFFFFFFF  }
0xa9: {  	s28 =	simm.s32 $_size_execute0_lowered;
	s5 =	sadd.s32 s5, s7;
	[dreg:$0x0] =	wrdreg $0x0  }
0xaa: {  	s7 =	sshll.u32 s28, $0x1;
	[dreg:$0x2] =	wrdreg s5  }
0xab: {  	[dreg:$0x3] =	wrdreg s7  }
0xac: {  	[dreg:$0x4] =	wrdreg $0xC0  }
0xad: {  	_ =	task [dreg:s9], $0x5FFFF  }
0xae: {  	[dreg:$0x1] =	wrdreg $0xFFFFFFFF  }
0xaf: {  	[dreg:$0x0] =	wrdreg $0x60  }
0xb0: {  	[dreg:$0x2] =	wrdreg s4  }
0xb1: {  	[dreg:$0x3] =	wrdreg s2  }
0xb2: {  	[dreg:$0x4] =	wrdreg s18  }
0xb3: {  	[dreg:$0x5] =	wrdreg s24  }
0xb4: {  	[dreg:$0x6] =	wrdreg $0x41A00  }
0xb5: {  	[dreg:$0x7] =	wrdreg $0x9  }
0xb6: {  	_ =	task.clear_ibuf [dreg:s9], $0x8FFFF;
	_ =	strace $0x90000046  }
0xb7: {  	s29 =	simm.s32 $0x9;
	_ =	strace $0x80000048  }
0xb8: {  	_ =	swait.ge [sflag:s29], $0x1  }
0xb9: {  	[sflag:s29] =	ssyncadd.s32 $0xFFFFFFFF  }
0xba: {  	_ =	strace $0x90000048  }
0xbb: {  	_ =	sfence  }
0xbc: {  	s30 =	sld [smem:$0x0];
	_ =	sdelay $0x2  }
0xbd: {  	s31 =	sshll.u32 s1, $0xD;
	s1 =	sshrl.u32 s1, $0x2  }
0xbe: {  	s3 =	sand.u32 $0x4000, s31;
	s1 =	sadd.s32 s1, s30  }
0xbf: {  	s0 =	sor.u32 s3, s0;
	s1 =	sshll.u32 s1, $0x11  }
0xc0: {  	s0 =	sor.u32 s1, s0  }
0xc1: {  	s0 =	sadd.s32 $0x8F2B, s0  }
0xc2: {  	[sflag:s0] =	ssyncadd.remote.s32 $0x1  }
0xc3: {  	_ =	sfence.sel $0xFFFF  }
0xc4: {  	[dreg:$0x0] =	wrdreg $0xFFFFFFFF;
	(pc) =	sbr.abs _section_cstart, $3  }
0xc5: {  	[dreg:$0x1] =	wrdreg $0xFFFFFFFF  }
0xc6: {  	_ =	task.clear_ibuf [dreg:s9], $0x2FFFF;
	_ =	strace $0x9FFFFFFF  }
0xc7: {  	(tm) =	ssettm $0x7FFFFFFF  }
tec
execute0_lowered:
.L_overlay_start_1:
0x0: {  	(tag) =	ssettag $0x1  }
0x1: {  	s0 =	rddreg [dreg:$0x0]  }
0x2: {  	s2 =	rddreg [dreg:$0x1]  }
0x3: {  	s3 =	rddreg [dreg:$0x2]  }
0x4: {  	s1 =	rddreg [dreg:$0x3];
	s4 =	srdreg.scid  }
0x5: {  	s12 =	stileid.u32;
	s5 =	rddreg [dreg:$0x4]  }
0x6: {  	s6 =	simm.s32 $0x0;
	s20 =	simm.s32 $0x23A0;
	s21 =	simm.s32 $0x2  }
0x7: {  	s22 =	simm.s32 $0x50;
	s24 =	simm.s32 $0x5A0;
	s9 =	smul.u32 $0xEA60, s12  }
0x8: {  	s25 =	simm.s32 $0x1;
	s4 =	sand.u32 $0x1, s4;
	s10 =	smul.u32 $0x3A980, s12  }
0x9: {  	[smem:$0x7FF] =	sst s6;
	s7 =	smul.u32 $0xEA600, s4;
	s11 =	ssub.s32 $0x2, s4  }
0xa: {  	_ =	strace $0x80000047;
	s23 =	sor.u32 $0x2, s4;
	s31 =	sshrl.u32 s11, $0x1  }
0xb: {  	s10 =	sshrl.u32 s10, $0x2;
	v1 =	vmov s23;
	s23 =	simm.s32 $0xA0;
	s8 =	sadd.s32 s9, s7  }
0xc: {  	s7 =	sadd.s32 $0x2A000, s1;
	s19 =	ssub.s32 s11, s31;
	s16 =	sadd.s32 s10, s5  }
0xd: {  	s9 =	sadd.s32 s9, s5;
	s8 =	sshrl.u32 s8, $0x3;
	s10 =	sadd.s32 $0x1E00, s16  }
0xe: {  	s11 =	sadd.s32 $0x3C00, s16;
	s13 =	sadd.s32 $0x7800, s16;
	s14 =	sadd.s32 $0x9600, s16  }
0xf: {  	s15 =	sadd.s32 $0xB400, s16;
	s19 =	smax.u32 s19, $0x1;
	s1 =	sadd.s32 s8, s1  }
0x10: {  	s8 =	smul.u32 $0x2710, s12;
	s12 =	sadd.s32 $0x5A00, s16;
	s17 =	sadd.s32 $0x78200, s1  }
0x11: {  	v2 =	vimm.f32 $0.0e+00;
	v0 =	vmov s4;
	s16 =	sadd.s32 $0xD200, s16;
	s18 =	sadd.s32 $0xB2B80, s1;
	[dreg:$0x6] =	wrdreg s17  }
.LBB2_1:
0x12: {  	s1 =	simm.s32 $0x0  }
0x13: {  	[tilespmem:s1+$0x23F0] =	vst v2  }
0x14: {  	[tilespmem:s1+$0x23A0] =	vst v2  }
0x15: {  	[tilespmem:s1+$0x23B0] =	vst v2  }
0x16: {  	[tilespmem:s1+$0x23C0] =	vst v2  }
0x17: {  	s4 =	simm.s32 $0x180;
	[tilespmem:s1+$0x23D0] =	vst v2  }
.LBB2_2:
0x18: {  	p0 =	sne.s32 s4, $0x7680;
	[tilespmem:s1+$0x23E0] =	vst v2;
	s1 =	sshra.s32 s4, $0x2;
	s4 =	sadd.s32 $0x180, s4  }
.Ltmp0:
0x19: {  	[tilespmem:s1+$0x23F0] =	vst v2;
	(pc) =	sbr.rel @p0 .LBB2_2-.Ltmp0, $4  }
0x1a: {  	[tilespmem:s1+$0x23A0] =	vst v2  }
0x1b: {  	[tilespmem:s1+$0x23B0] =	vst v2  }
0x1c: {  	[tilespmem:s1+$0x23C0] =	vst v2  }
0x1d: {  	[tilespmem:s1+$0x23D0] =	vst v2  }
0x1e: {  	[tilespmem:s1+$0x23E0] =	vst v2  }
0x1f: {  	[spmem:s9] =	stream.linear.scatter [tilespmem:s20], [sflag:$0x2], $0x1E00, $0x38;
	[tilespmem:$0x12C00] =	vst v63  }
0x20: {  	_ =	swait.ge [sflag:s21], $0x1E00  }
0x21: {  	[sflag:s21] =	ssyncset.done $0x0  }
0x22: {  	[sflag:s21] =	ssyncadd.s32 $0xFFFFE200  }
0x23: {  	[spmem:s10] =	stream.linear.scatter [tilespmem:s20], [sflag:$0x2], $0x1E00, $0x38;
	[tilespmem:$0x12C00] =	vst v63  }
0x24: {  	_ =	swait.ge [sflag:s21], $0x1E00  }
0x25: {  	[sflag:s21] =	ssyncset.done $0x0  }
0x26: {  	[sflag:s21] =	ssyncadd.s32 $0xFFFFE200  }
0x27: {  	[spmem:s11] =	stream.linear.scatter [tilespmem:s20], [sflag:$0x2], $0x1E00, $0x38;
	[tilespmem:$0x12C00] =	vst v63  }
0x28: {  	_ =	swait.ge [sflag:s21], $0x1E00  }
0x29: {  	[sflag:s21] =	ssyncset.done $0x0  }
0x2a: {  	[sflag:s21] =	ssyncadd.s32 $0xFFFFE200  }
0x2b: {  	[spmem:s12] =	stream.linear.scatter [tilespmem:s20], [sflag:$0x2], $0x1E00, $0x38;
	[tilespmem:$0x12C00] =	vst v63  }
0x2c: {  	_ =	swait.ge [sflag:s21], $0x1E00  }
0x2d: {  	[sflag:s21] =	ssyncset.done $0x0  }
0x2e: {  	[sflag:s21] =	ssyncadd.s32 $0xFFFFE200  }
0x2f: {  	[spmem:s13] =	stream.linear.scatter [tilespmem:s20], [sflag:$0x2], $0x1E00, $0x38;
	[tilespmem:$0x12C00] =	vst v63  }
0x30: {  	_ =	swait.ge [sflag:s21], $0x1E00  }
0x31: {  	[sflag:s21] =	ssyncset.done $0x0  }
0x32: {  	[sflag:s21] =	ssyncadd.s32 $0xFFFFE200  }
0x33: {  	[spmem:s14] =	stream.linear.scatter [tilespmem:s20], [sflag:$0x2], $0x1E00, $0x38;
	[tilespmem:$0x12C00] =	vst v63  }
0x34: {  	_ =	swait.ge [sflag:s21], $0x1E00  }
0x35: {  	[sflag:s21] =	ssyncset.done $0x0  }
0x36: {  	[sflag:s21] =	ssyncadd.s32 $0xFFFFE200  }
0x37: {  	[spmem:s15] =	stream.linear.scatter [tilespmem:s20], [sflag:$0x2], $0x1E00, $0x38;
	[tilespmem:$0x12C00] =	vst v63  }
0x38: {  	_ =	swait.ge [sflag:s21], $0x1E00  }
0x39: {  	[sflag:s21] =	ssyncset.done $0x0  }
0x3a: {  	[sflag:s21] =	ssyncadd.s32 $0xFFFFE200  }
0x3b: {  	[spmem:s16] =	stream.linear.scatter [tilespmem:s20], [sflag:$0x2], $0x1860, $0x38;
	[tilespmem:$0x12C00] =	vst v63  }
0x3c: {  	_ =	swait.ge [sflag:s21], $0x1860  }
0x3d: {  	[sflag:s21] =	ssyncset.done $0x0  }
0x3e: {  	[sflag:s21] =	ssyncadd.s32 $0xFFFFE7A0  }
0x3f: {  	s26 =	simm.s32 $0x0;
	s28 =	simm.s32 $0x0;
	[bflag:$0x0] =	sbarrier.arrive $0xFFFF  }
.LBB2_4:
0x40: {  	s1 =	smul.u32 $0x50, s28;
	_ =	sdelay $0x1  }
0x41: {  	s1 =	sadd.s32 s8, s1  }
0x42: {  	s4 =	sshrl.u32 s1, $0x3  }
0x43: {  	s29 =	sadd.s32 s2, s4  }
0x44: {  	[tilespmem:s26], [sflag:$0x2] =	stream.linear.gather [hbm4b:s29+s26], $0x50, $0x38;
	[tilespmem:$0x12C00] =	vst v63  }
0x45: {  	_ =	swait.ge [sflag:s21], $0x50  }
0x46: {  	[sflag:s21] =	ssyncset.done $0x0  }
0x47: {  	[sflag:s21] =	ssyncadd.s32 $0xFFFFFFB0  }
0x48: {  	v3 =	vld [tilespmem:$0x0]  }
0x49: {  	v4 =	vld [tilespmem:$0x10]  }
0x4a: {  	v5 =	vld [tilespmem:$0x20]  }
0x4b: {  	v6 =	vld [tilespmem:$0x30]  }
0x4c: {  	v7 =	vld [tilespmem:$0x40]  }
0x4d: {  	v3 =	vshll.u32 v3, $0x2  }
0x4e: {  	v4 =	vshll.u32 v4, $0x2;
	v3 =	vor.u32 v0, v3  }
0x4f: {  	[tilespmem:$0x0] =	vst v3;
	v3 =	vor.u32 v0, v4;
	v4 =	vshll.u32 v5, $0x2  }
0x50: {  	[tilespmem:$0x10] =	vst v3;
	v3 =	vor.u32 v0, v4;
	v4 =	vshll.u32 v6, $0x2  }
0x51: {  	[tilespmem:$0x20] =	vst v3;
	v3 =	vor.u32 v0, v4;
	v4 =	vshll.u32 v7, $0x2  }
0x52: {  	[tilespmem:$0x30] =	vst v3;
	v3 =	vor.u32 v0, v4  }
0x53: {  	s4 =	sadd.s32 s3, s4;
	[tilespmem:$0x40] =	vst v3  }
0x54: {  	[tilespmem:s22], [sflag:$0x2] =	stream.linear.gather [hbm4b:s4+s26], $0x50, $0x38;
	[tilespmem:$0x12C00] =	vst v63  }
0x55: {  	_ =	swait.ge [sflag:s21], $0x50  }
0x56: {  	s1 =	sshll.u32 s1, $0x1;
	[sflag:s21] =	ssyncset.done $0x0  }
0x57: {  	s1 =	sadd.s32 s7, s1;
	[sflag:s21] =	ssyncadd.s32 $0xFFFFFFB0  }
0x58: {  	[tilespmem:s23], [sflag:$0x2] =	stream.linear.gather [hbm4b:s1+s26], $0x500, $0x38;
	[tilespmem:$0x12C00] =	vst v63  }
0x59: {  	_ =	swait.ge [sflag:s21], $0x500  }
0x5a: {  	[sflag:s21] =	ssyncset.done $0x0  }
0x5b: {  	[sflag:s21] =	ssyncadd.s32 $0xFFFFFB00  }
0x5c: {  	[tilespmem:s24], [sflag:$0x1] =	stream.indirect.gather [hbm4b:s0+s22], $0x60, s26, s22, $0xb8;
	[tilespmem:$0x12C00] =	vst v63  }
0x5d: {  	_ =	swait.ge [sflag:s25], $0x1E00  }
0x5e: {  	[sflag:s25] =	ssyncset.done $0x0  }
0x5f: {  	s31 =	simm.s32 $0x0;
	[sflag:s25] =	ssyncadd.s32 $0xFFFFE200  }
0x60: {  	s30 =	simm.s32 $0x5D0;
	v9 =	vld [tilespmem:s31+$0xA0]  }
0x61: {  	v4 =	vld [tilespmem:s30+$0xFFFFFFF0]  }
0x62: {  	v5 =	vld [tilespmem:s30+$0x0];
	_ =	sdelay $0x1  }
0x63: {  	v6 =	vld [tilespmem:s30+$0xFFFFFFD0]  }
0x64: {  	v3 =	vld [tilespmem:s30+$0x20];
	v8 =	vbroadcast v9, $0x0;
	v7 =	vbroadcast v9, $0x7  }
0x65: {  	v16 =	vbroadcast v9, $0x3;
	v14 =	vbroadcast v9, $0x5  }
0x66: {  	v11 =	vmul.f32 v4, v7;
	v15 =	vmul.f32 v5, v7;
	v7 =	vld [tilespmem:s30+$0x10]  }
0x67: {  	v10 =	vld [tilespmem:s30+$0xFFFFFFE0];
	v13 =	vbroadcast v9, $0x8;
	v20 =	vbroadcast v9, $0x4  }
0x68: {  	v19 =	vbroadcast v9, $0x6;
	v18 =	vmul.f32 v6, v16  }
0x69: {  	s29 =	simm.s32 $0x5D0;
	s4 =	simm.s32 $0x40;
	v12 =	vmul.f32 v3, v13;
	v17 =	vmul.f32 v5, v20  }
.LBB2_5:
0x6a: {  	p0 =	sne.s32 s4, $0x13C0  }
0x6b: {  	v20 =	vmul.f32 v4, v20;
	v21 =	vmul.f32 v7, v14;
	s30 =	sadd.s32 $0x60, s30;
	s1 =	smov.u32 s4;
	s4 =	sadd.s32 $0x40, s4  }
0x6c: {  	v22 =	vbroadcast v9, $0x2;
	v16 =	vmul.f32 v10, v16  }
0x6d: {  	v18 =	vadd.f32 v20, v18;
	v20 =	vmul.f32 v6, v19;
	v19 =	vmul.f32 v10, v19  }
0x6e: {  	v9 =	vbroadcast v9, $0x1;
	v14 =	vmul.f32 v3, v14  }
0x6f: {  	v13 =	vmul.f32 v7, v13;
	v16 =	vadd.f32 v17, v16;
	v18 =	vadd.f32 v21, v18  }
0x70: {  	v4 =	vmul.f32 v4, v9;
	v10 =	vmul.f32 v10, v8;
	v15 =	vadd.f32 v15, v19  }
0x71: {  	v6 =	vmul.f32 v6, v8;
	v8 =	vadd.f32 v14, v16;
	v11 =	vadd.f32 v11, v20;
	[tilespmem:s29+$0xFFFFFFF0] =	vst v18  }
0x72: {  	v5 =	vmul.f32 v5, v9;
	v3 =	vmul.f32 v3, v22;
	v9 =	vadd.f32 v12, v15  }
0x73: {  	v4 =	vadd.f32 v4, v6;
	v6 =	vmul.f32 v7, v22;
	v7 =	vadd.f32 v13, v11;
	[tilespmem:s29+$0x0] =	vst v8  }
0x74: {  	v5 =	vadd.f32 v5, v10;
	[tilespmem:s29+$0x20] =	vst v9  }
0x75: {  	v4 =	vadd.f32 v6, v4;
	[tilespmem:s29+$0x10] =	vst v7  }
0x76: {  	s1 =	sshra.s32 s1, $0x2;
	v3 =	vadd.f32 v3, v5  }
0x77: {  	[tilespmem:s29+$0xFFFFFFD0] =	vst v4  }
0x78: {  	v4 =	vld [tilespmem:s30+$0xFFFFFFF0];
	[tilespmem:s29+$0xFFFFFFE0] =	vst v3;
	s29 =	smov.u32 s30  }
0x79: {  	v9 =	vld [tilespmem:s1+$0xA0]  }
0x7a: {  	v10 =	vld [tilespmem:s30+$0xFFFFFFE0]  }
0x7b: {  	v3 =	vld [tilespmem:s30+$0x20]  }
0x7c: {  	v6 =	vld [tilespmem:s30+$0xFFFFFFD0]  }
0x7d: {  	v5 =	vld [tilespmem:s30+$0x0]  }
0x7e: {  	v8 =	vbroadcast v9, $0x0;
	v12 =	vbroadcast v9, $0x7  }
.Ltmp1:
0x7f: {  	v16 =	vbroadcast v9, $0x3;
	v14 =	vbroadcast v9, $0x5;
	v7 =	vld [tilespmem:s30+$0x10];
	(pc) =	sbr.rel @p0 .LBB2_5-.Ltmp1, $4  }
0x80: {  	v13 =	vbroadcast v9, $0x8;
	v11 =	vmul.f32 v4, v12  }
0x81: {  	v20 =	vbroadcast v9, $0x4;
	v18 =	vmul.f32 v6, v16  }
0x82: {  	v15 =	vmul.f32 v5, v12;
	v12 =	vmul.f32 v3, v13  }
0x83: {  	v19 =	vbroadcast v9, $0x6;
	v17 =	vmul.f32 v5, v20  }
0x84: {  	v20 =	vmul.f32 v4, v20  }
0x85: {  	v21 =	vmul.f32 v7, v14;
	v22 =	vbroadcast v9, $0x2  }
0x86: {  	v16 =	vmul.f32 v10, v16;
	v54 =	vbroadcast v9, $0x1  }
0x87: {  	v56 =	vmul.f32 v3, v14;
	v13 =	vmul.f32 v7, v13  }
0x88: {  	v58 =	vmul.f32 v10, v8;
	v55 =	vmul.f32 v10, v19;
	v18 =	vadd.f32 v20, v18  }
0x89: {  	v59 =	vmul.f32 v6, v8;
	v53 =	vmul.f32 v6, v19;
	v16 =	vadd.f32 v17, v16  }
0x8a: {  	v57 =	vmul.f32 v4, v54;
	v15 =	vadd.f32 v15, v55;
	v18 =	vadd.f32 v21, v18  }
0x8b: {  	v5 =	vmul.f32 v5, v54;
	v11 =	vadd.f32 v11, v53;
	v60 =	vadd.f32 v56, v16  }
0x8c: {  	v62 =	vmul.f32 v7, v22;
	v4 =	vadd.f32 v57, v59;
	v61 =	vadd.f32 v12, v15;
	[tilespmem:s29+$0xFFFFFFF0] =	vst v18  }
0x8d: {  	v3 =	vmul.f32 v3, v22;
	v5 =	vadd.f32 v5, v58;
	v63 =	vadd.f32 v13, v11;
	[tilespmem:s29+$0x0] =	vst v60  }
0x8e: {  	v4 =	vadd.f32 v62, v4;
	[tilespmem:s29+$0x20] =	vst v61  }
0x8f: {  	s28 =	sadd.s32 $0x1, s28;
	v3 =	vadd.f32 v3, v5;
	[tilespmem:s29+$0x10] =	vst v63  }
0x90: {  	p0 =	sne.s32 s28, $0x7D;
	[tilespmem:s29+$0xFFFFFFD0] =	vst v4  }
.Ltmp2:
0x91: {  	[tilespmem:s29+$0xFFFFFFE0] =	vst v3;
	(pc) =	sbr.rel @p0 .LBB2_4-.Ltmp2, $4  }
0x92: {  	[spmem:s5] =	stream.indirect.scatter.add.f32 [tilespmem:s24], [sflag:$0x2], $0x60, s22, s22, $0xb8;
	[tilespmem:$0x12C00] =	vst v63  }
0x93: {  	_ =	swait.ge [sflag:s21], $0x1E00  }
0x94: {  	[sflag:s21] =	ssyncset.done $0x0  }
0x95: {  	[sflag:s21] =	ssyncadd.s32 $0xFFFFE200  }
0x96: {  	s1 =	stileid.u32  }
0x97: {  	[bflag:$0x0] =	sbarrier.arrive $0xFFFF;
	s1 =	sshll.u32 s1, $0x6  }
0x98: {  	s28 =	sshrl.u32 s9, $0x3;
	s31 =	rddreg [dreg:$0x6];
	s26 =	sor.u32 $0x1C02, s1  }
0x99: {  	[hbm:s31], [sflag:s26] =	dma.local [spmem:s28], $0x1D4C  }
0x9a: {  	_ =	swait.ge [sflag:s21], $0x1D4C  }
0x9b: {  	[sflag:s21] =	ssyncset.done $0x0  }
0x9c: {  	[sflag:s21] =	ssyncadd.s32 $0xFFFFE2B4  }
0x9d: {  	[spmem:s9] =	stream.linear.scatter [tilespmem:s20], [sflag:$0x2], $0x1E00, $0x38;
	[tilespmem:$0x12C00] =	vst v63  }
0x9e: {  	_ =	swait.ge [sflag:s21], $0x1E00  }
0x9f: {  	[sflag:s21] =	ssyncset.done $0x0  }
0xa0: {  	[sflag:s21] =	ssyncadd.s32 $0xFFFFE200  }
0xa1: {  	[spmem:s10] =	stream.linear.scatter [tilespmem:s20], [sflag:$0x2], $0x1E00, $0x38;
	[tilespmem:$0x12C00] =	vst v63  }
0xa2: {  	_ =	swait.ge [sflag:s21], $0x1E00  }
0xa3: {  	[sflag:s21] =	ssyncset.done $0x0  }
0xa4: {  	[sflag:s21] =	ssyncadd.s32 $0xFFFFE200  }
0xa5: {  	[spmem:s11] =	stream.linear.scatter [tilespmem:s20], [sflag:$0x2], $0x1E00, $0x38;
	[tilespmem:$0x12C00] =	vst v63  }
0xa6: {  	_ =	swait.ge [sflag:s21], $0x1E00  }
0xa7: {  	[sflag:s21] =	ssyncset.done $0x0  }
0xa8: {  	[sflag:s21] =	ssyncadd.s32 $0xFFFFE200  }
0xa9: {  	[spmem:s12] =	stream.linear.scatter [tilespmem:s20], [sflag:$0x2], $0x1E00, $0x38;
	[tilespmem:$0x12C00] =	vst v63  }
0xaa: {  	_ =	swait.ge [sflag:s21], $0x1E00  }
0xab: {  	[sflag:s21] =	ssyncset.done $0x0  }
0xac: {  	[sflag:s21] =	ssyncadd.s32 $0xFFFFE200  }
0xad: {  	[spmem:s13] =	stream.linear.scatter [tilespmem:s20], [sflag:$0x2], $0x1E00, $0x38;
	[tilespmem:$0x12C00] =	vst v63  }
0xae: {  	_ =	swait.ge [sflag:s21], $0x1E00  }
0xaf: {  	[sflag:s21] =	ssyncset.done $0x0  }
0xb0: {  	[sflag:s21] =	ssyncadd.s32 $0xFFFFE200  }
0xb1: {  	[spmem:s14] =	stream.linear.scatter [tilespmem:s20], [sflag:$0x2], $0x1E00, $0x38;
	[tilespmem:$0x12C00] =	vst v63  }
0xb2: {  	_ =	swait.ge [sflag:s21], $0x1E00  }
0xb3: {  	[sflag:s21] =	ssyncset.done $0x0  }
0xb4: {  	[sflag:s21] =	ssyncadd.s32 $0xFFFFE200  }
0xb5: {  	[spmem:s15] =	stream.linear.scatter [tilespmem:s20], [sflag:$0x2], $0x1E00, $0x38;
	[tilespmem:$0x12C00] =	vst v63  }
0xb6: {  	_ =	swait.ge [sflag:s21], $0x1E00  }
0xb7: {  	[sflag:s21] =	ssyncset.done $0x0  }
0xb8: {  	[sflag:s21] =	ssyncadd.s32 $0xFFFFE200  }
0xb9: {  	[spmem:s16] =	stream.linear.scatter [tilespmem:s20], [sflag:$0x2], $0x1860, $0x38;
	[tilespmem:$0x12C00] =	vst v63  }
0xba: {  	_ =	swait.ge [sflag:s21], $0x1860  }
0xbb: {  	[sflag:s21] =	ssyncset.done $0x0  }
0xbc: {  	[sflag:s21] =	ssyncadd.s32 $0xFFFFE7A0  }
0xbd: {  	s29 =	simm.s32 $0x0;
	s30 =	simm.s32 $0x0;
	[bflag:$0x0] =	sbarrier.arrive $0xFFFF  }
.LBB2_8:
0xbe: {  	s1 =	smul.u32 $0x50, s30;
	_ =	sdelay $0x1  }
0xbf: {  	s1 =	sadd.s32 s8, s1  }
0xc0: {  	s4 =	sshrl.u32 s1, $0x3  }
0xc1: {  	s31 =	sadd.s32 s2, s4  }
0xc2: {  	[tilespmem:s29], [sflag:$0x2] =	stream.linear.gather [hbm4b:s31+s29], $0x50, $0x38;
	[tilespmem:$0x12C00] =	vst v63  }
0xc3: {  	_ =	swait.ge [sflag:s21], $0x50  }
0xc4: {  	[sflag:s21] =	ssyncset.done $0x0  }
0xc5: {  	[sflag:s21] =	ssyncadd.s32 $0xFFFFFFB0  }
0xc6: {  	v3 =	vld [tilespmem:$0x0]  }
0xc7: {  	v4 =	vld [tilespmem:$0x10]  }
0xc8: {  	v5 =	vld [tilespmem:$0x20]  }
0xc9: {  	v6 =	vld [tilespmem:$0x30]  }
0xca: {  	v7 =	vld [tilespmem:$0x40]  }
0xcb: {  	v3 =	vshll.u32 v3, $0x2  }
0xcc: {  	v4 =	vshll.u32 v4, $0x2;
	v3 =	vor.u32 v1, v3  }
0xcd: {  	[tilespmem:$0x0] =	vst v3;
	v3 =	vor.u32 v1, v4;
	v4 =	vshll.u32 v5, $0x2  }
0xce: {  	[tilespmem:$0x10] =	vst v3;
	v3 =	vor.u32 v1, v4;
	v4 =	vshll.u32 v6, $0x2  }
0xcf: {  	[tilespmem:$0x20] =	vst v3;
	v3 =	vor.u32 v1, v4;
	v4 =	vshll.u32 v7, $0x2  }
0xd0: {  	[tilespmem:$0x30] =	vst v3;
	v3 =	vor.u32 v1, v4  }
0xd1: {  	s4 =	sadd.s32 s3, s4;
	[tilespmem:$0x40] =	vst v3  }
0xd2: {  	[tilespmem:s22], [sflag:$0x2] =	stream.linear.gather [hbm4b:s4+s29], $0x50, $0x38;
	[tilespmem:$0x12C00] =	vst v63  }
0xd3: {  	_ =	swait.ge [sflag:s21], $0x50  }
0xd4: {  	s1 =	sshll.u32 s1, $0x1;
	[sflag:s21] =	ssyncset.done $0x0  }
0xd5: {  	s1 =	sadd.s32 s7, s1;
	[sflag:s21] =	ssyncadd.s32 $0xFFFFFFB0  }
0xd6: {  	[tilespmem:s23], [sflag:$0x2] =	stream.linear.gather [hbm4b:s1+s29], $0x500, $0x38;
	[tilespmem:$0x12C00] =	vst v63  }
0xd7: {  	_ =	swait.ge [sflag:s21], $0x500  }
0xd8: {  	[sflag:s21] =	ssyncset.done $0x0  }
0xd9: {  	[sflag:s21] =	ssyncadd.s32 $0xFFFFFB00  }
0xda: {  	[tilespmem:s24], [sflag:$0x1] =	stream.indirect.gather [hbm4b:s0+s22], $0x60, s29, s22, $0xb8;
	[tilespmem:$0x12C00] =	vst v63  }
0xdb: {  	_ =	swait.ge [sflag:s25], $0x1E00  }
0xdc: {  	[sflag:s25] =	ssyncset.done $0x0  }
0xdd: {  	s17 =	simm.s32 $0x0;
	[sflag:s25] =	ssyncadd.s32 $0xFFFFE200  }
0xde: {  	s4 =	simm.s32 $0x5D0;
	v9 =	vld [tilespmem:s17+$0xA0]  }
0xdf: {  	v4 =	vld [tilespmem:s4+$0xFFFFFFF0]  }
0xe0: {  	v5 =	vld [tilespmem:s4+$0x0];
	_ =	sdelay $0x1  }
0xe1: {  	v6 =	vld [tilespmem:s4+$0xFFFFFFD0]  }
0xe2: {  	v3 =	vld [tilespmem:s4+$0x20];
	v8 =	vbroadcast v9, $0x0;
	v7 =	vbroadcast v9, $0x7  }
0xe3: {  	v16 =	vbroadcast v9, $0x3;
	v14 =	vbroadcast v9, $0x5  }
0xe4: {  	v11 =	vmul.f32 v4, v7;
	v15 =	vmul.f32 v5, v7;
	v7 =	vld [tilespmem:s4+$0x10]  }
0xe5: {  	v10 =	vld [tilespmem:s4+$0xFFFFFFE0];
	v13 =	vbroadcast v9, $0x8;
	v20 =	vbroadcast v9, $0x4  }
0xe6: {  	v19 =	vbroadcast v9, $0x6;
	v18 =	vmul.f32 v6, v16  }
0xe7: {  	s31 =	simm.s32 $0x5D0;
	s1 =	simm.s32 $0x40;
	v12 =	vmul.f32 v3, v13;
	v17 =	vmul.f32 v5, v20  }
.LBB2_9:
0xe8: {  	p0 =	sne.s32 s1, $0x13C0  }
0xe9: {  	v20 =	vmul.f32 v4, v20;
	v21 =	vmul.f32 v7, v14;
	s4 =	sadd.s32 $0x60, s4;
	s17 =	smov.u32 s1;
	s1 =	sadd.s32 $0x40, s1  }
0xea: {  	v22 =	vbroadcast v9, $0x2;
	v16 =	vmul.f32 v10, v16  }
0xeb: {  	v18 =	vadd.f32 v20, v18;
	v20 =	vmul.f32 v6, v19;
	v19 =	vmul.f32 v10, v19  }
0xec: {  	v9 =	vbroadcast v9, $0x1;
	v14 =	vmul.f32 v3, v14  }
0xed: {  	v13 =	vmul.f32 v7, v13;
	v16 =	vadd.f32 v17, v16;
	v18 =	vadd.f32 v21, v18  }
0xee: {  	v4 =	vmul.f32 v4, v9;
	v10 =	vmul.f32 v10, v8;
	v15 =	vadd.f32 v15, v19  }
0xef: {  	v6 =	vmul.f32 v6, v8;
	v8 =	vadd.f32 v14, v16;
	v11 =	vadd.f32 v11, v20;
	[tilespmem:s31+$0xFFFFFFF0] =	vst v18  }
0xf0: {  	v5 =	vmul.f32 v5, v9;
	v3 =	vmul.f32 v3, v22;
	v9 =	vadd.f32 v12, v15  }
0xf1: {  	v4 =	vadd.f32 v4, v6;
	v6 =	vmul.f32 v7, v22;
	v7 =	vadd.f32 v13, v11;
	[tilespmem:s31+$0x0] =	vst v8  }
0xf2: {  	v5 =	vadd.f32 v5, v10;
	[tilespmem:s31+$0x20] =	vst v9  }
0xf3: {  	v4 =	vadd.f32 v6, v4;
	[tilespmem:s31+$0x10] =	vst v7  }
0xf4: {  	s17 =	sshra.s32 s17, $0x2;
	v3 =	vadd.f32 v3, v5  }
0xf5: {  	[tilespmem:s31+$0xFFFFFFD0] =	vst v4  }
0xf6: {  	v4 =	vld [tilespmem:s4+$0xFFFFFFF0];
	[tilespmem:s31+$0xFFFFFFE0] =	vst v3;
	s31 =	smov.u32 s4  }
0xf7: {  	v9 =	vld [tilespmem:s17+$0xA0]  }
0xf8: {  	v10 =	vld [tilespmem:s4+$0xFFFFFFE0]  }
0xf9: {  	v3 =	vld [tilespmem:s4+$0x20]  }
0xfa: {  	v6 =	vld [tilespmem:s4+$0xFFFFFFD0]  }
0xfb: {  	v5 =	vld [tilespmem:s4+$0x0]  }
0xfc: {  	v8 =	vbroadcast v9, $0x0;
	v12 =	vbroadcast v9, $0x7  }
.Ltmp3:
0xfd: {  	v16 =	vbroadcast v9, $0x3;
	v14 =	vbroadcast v9, $0x5;
	v7 =	vld [tilespmem:s4+$0x10];
	(pc) =	sbr.rel @p0 .LBB2_9-.Ltmp3, $4  }
0xfe: {  	v13 =	vbroadcast v9, $0x8;
	v11 =	vmul.f32 v4, v12  }
0xff: {  	v20 =	vbroadcast v9, $0x4;
	v18 =	vmul.f32 v6, v16  }
0x100: {  	v15 =	vmul.f32 v5, v12;
	v12 =	vmul.f32 v3, v13  }
0x101: {  	v19 =	vbroadcast v9, $0x6;
	v17 =	vmul.f32 v5, v20  }
0x102: {  	v20 =	vmul.f32 v4, v20  }
0x103: {  	v21 =	vmul.f32 v7, v14;
	v22 =	vbroadcast v9, $0x2  }
0x104: {  	v16 =	vmul.f32 v10, v16;
	v54 =	vbroadcast v9, $0x1  }
0x105: {  	v56 =	vmul.f32 v3, v14;
	v13 =	vmul.f32 v7, v13  }
0x106: {  	v58 =	vmul.f32 v10, v8;
	v55 =	vmul.f32 v10, v19;
	v18 =	vadd.f32 v20, v18  }
0x107: {  	v59 =	vmul.f32 v6, v8;
	v53 =	vmul.f32 v6, v19;
	v16 =	vadd.f32 v17, v16  }
0x108: {  	v57 =	vmul.f32 v4, v54;
	v15 =	vadd.f32 v15, v55;
	v18 =	vadd.f32 v21, v18  }
0x109: {  	v5 =	vmul.f32 v5, v54;
	v11 =	vadd.f32 v11, v53;
	v60 =	vadd.f32 v56, v16  }
0x10a: {  	v62 =	vmul.f32 v7, v22;
	v4 =	vadd.f32 v57, v59;
	v61 =	vadd.f32 v12, v15;
	[tilespmem:s31+$0xFFFFFFF0] =	vst v18  }
0x10b: {  	v3 =	vmul.f32 v3, v22;
	v5 =	vadd.f32 v5, v58;
	v63 =	vadd.f32 v13, v11;
	[tilespmem:s31+$0x0] =	vst v60  }
0x10c: {  	v4 =	vadd.f32 v62, v4;
	[tilespmem:s31+$0x20] =	vst v61  }
0x10d: {  	s30 =	sadd.s32 $0x1, s30;
	v3 =	vadd.f32 v3, v5;
	[tilespmem:s31+$0x10] =	vst v63  }
0x10e: {  	p0 =	sne.s32 s30, $0x7D;
	[tilespmem:s31+$0xFFFFFFD0] =	vst v4  }
.Ltmp4:
0x10f: {  	[tilespmem:s31+$0xFFFFFFE0] =	vst v3;
	(pc) =	sbr.rel @p0 .LBB2_8-.Ltmp4, $4  }
0x110: {  	[spmem:s5] =	stream.indirect.scatter.add.f32 [tilespmem:s24], [sflag:$0x2], $0x60, s22, s22, $0xb8;
	[tilespmem:$0x12C00] =	vst v63  }
0x111: {  	_ =	swait.ge [sflag:s21], $0x1E00  }
0x112: {  	[sflag:s21] =	ssyncset.done $0x0  }
0x113: {  	[sflag:s21] =	ssyncadd.s32 $0xFFFFE200  }
0x114: {  	s6 =	sadd.s32 $0x1, s6  }
0x115: {  	p0 =	sne.s32 s6, s19  }
.Ltmp5:
0x116: {  	[bflag:$0x0] =	sbarrier.arrive $0xFFFF;
	(pc) =	sbr.rel @p0 .LBB2_1-.Ltmp5, $4  }
0x117: {  	[hbm:s18], [sflag:s26] =	dma.local [spmem:s28], $0x1D4C  }
0x118: {  	_ =	swait.ge [sflag:s21], $0x1D4C  }
0x119: {  	[sflag:s21] =	ssyncset.done $0x0  }
0x11a: {  	[sflag:s21] =	ssyncadd.s32 $0xFFFFE2B4  }
0x11b: {  	_ =	sfence.sel $0x180000  }
0x11c: {  	[bflag:$0x0] =	sbarrier.arrive $0xFFFF  }
0x11d: {  	_ =	strace $0x90000047  }
0x11e: {  	s0 =	stileid.u32;
	[bflag:$0x2] =	sbarrier.arrive $0xFFFF  }
0x11f: {  	p0 =	sne.s32 s0, $0x0;
	s0 =	rddreg [dreg:$0x5]  }
0x120: {  	s0 =	sadd.s32 @!p0 $0x100000, s0  }
0x121: {  	[sflag:s0] =	ssyncadd.tile.s32 @!p0 $0x1;
	_ =	shalt  }
.Lfunc_end2:
_tile_overlayer_lowered:
.L_overlay_start_2:
0x122: {  	(tag) =	ssettag $0x2  }
0x123: {  	s0 =	rddreg [dreg:$0x0];
	s2 =	stileid.u32  }
0x124: {  	s1 =	rddreg [dreg:$0x1];
	p0 =	sne.s32 s2, $0x0  }
0x125: {  	s3 =	rddreg [dreg:$0x2];
	[bflag:$0x3] =	sbarrier.arrive $0xFFFF;
	s2 =	simm.s32 @!p0 $0x1C02  }
0x126: {  	[timem:s3], [sflag:s2] =	dma.local @!p0 [hbm:s0], s1  }
0x127: {  	s0 =	simm.s32 @!p0 $0x2  }
0x128: {  	_ =	swait.ge @!p0 [sflag:s0], s1  }
0x129: {  	s1 =	ssub.s32 @!p0 $0x0, s1;
	[sflag:s0] =	ssyncset.done @!p0 $0x0  }
0x12a: {  	[sflag:s0] =	ssyncadd.s32 @!p0 s1  }
0x12b: {  	[bflag:$0x3] =	sbarrier.arrive $0xFFFF  }
0x12c: {  	_ =	shalt  }

</sc_bundles>
